<compile_context>
chip_gen: v7x
topology: tpu7x:2x2x1
jax: 0.10.2.dev20260603
libtpu: 0.0.44.dev20260713+nightly
codegen_flags: <defaults>
</compile_context>

<pallas_src>
import dataclasses

import jax
import jax.numpy as jnp
from jax import lax
from jax.experimental import pallas as pl
from jax.experimental.pallas import tpu as pltpu
from jax.experimental.pallas import tpu_sc as plsc

_N_CLASSES = 1000
_C_PAD = 1024
_N_EMB = 64
_ACC_W = 80
_BATCH = 16384
_NC = 2
_NS = 16
_NW = _NC * _NS
_ROWS = _BATCH // _NW
_XCHUNK = 128


def _sc_partials(x, y):
    zeros = jnp.zeros((_C_PAD * _ACC_W,), jnp.float32)
    mesh = plsc.VectorSubcoreMesh(core_axis_name="c", subcore_axis_name="s")
    cp = pltpu.CompilerParams()
    if "needs_layout_passes" in pltpu.CompilerParams.__dataclass_fields__:
        cp = dataclasses.replace(cp, needs_layout_passes=False)

    @pl.kernel(
        compiler_params=cp,
        out_type=jax.ShapeDtypeStruct((_NW, _C_PAD * _ACC_W), jnp.float32),
        mesh=mesh,
        scratch_types=[
            pltpu.VMEM((_XCHUNK, _N_EMB), jnp.float32),
            pltpu.VMEM((_ROWS,), jnp.int32),
            pltpu.VMEM((_C_PAD * _ACC_W,), jnp.float32),
        ],
    )
    def k(x_hbm, y_hbm, z_hbm, out_hbm, x_v, y_v, acc_v):
        cid = lax.axis_index("c")
        sid = lax.axis_index("s")
        wid = cid * _NS + sid
        base = wid * _ROWS

        pltpu.sync_copy(z_hbm, acc_v)
        pltpu.sync_copy(y_hbm.at[pl.ds(base, _ROWS)], y_v)

        iota = lax.iota(jnp.int32, 16)
        ones = jnp.ones((16,), jnp.float32)

        @pl.loop(0, _ROWS // _XCHUNK)
        def _chunk(c):
            pltpu.sync_copy(x_hbm.at[pl.ds(base + c * _XCHUNK, _XCHUNK)], x_v)

            @pl.loop(0, _XCHUNK // 16)
            def _group(g):
                for l in range(16):
                    r = g * 16 + l
                    sel = jnp.full((16,), 0, jnp.int32) + (c * _XCHUNK + r)
                    row_base = plsc.load_gather(y_v, [sel]) * _ACC_W
                    for j in range(4):
                        idx = row_base + (iota + j * 16)
                        val = x_v[r, pl.ds(j * 16, 16)]
                        plsc.addupdate_scatter(acc_v, [idx], val)
                    plsc.addupdate_scatter(acc_v, [row_base + (iota + 64)], ones)

        pltpu.sync_copy(acc_v, out_hbm.at[wid])

    return k(x, y, zeros)


def _tc_body(p_ref, centers_ref, nbt_ref, out_ref, acc_ref):
    i = pl.program_id(0)

    @pl.when(i == 0)
    def _init():
        acc_ref[...] = jnp.zeros_like(acc_ref)

    acc_ref[...] += p_ref[0]

    @pl.when(i == _NW - 1)
    def _fin():
        sums = acc_ref[0:_N_CLASSES, 0:_N_EMB]
        counts = acc_ref[0:_N_CLASSES, 64:65]
        present = counts > 0.0
        denom = jnp.where(present, counts, 1.0)
        mu = sums / denom
        nbt = nbt_ref[0, 0]
        centers = centers_ref[...]
        cma = (mu + centers * nbt) / (nbt + 1.0)
        out_ref[...] = jnp.where(present, cma, centers)


def _tc_finalize(partials, centers, nbt):
    p3 = partials.reshape(_NW, _C_PAD, _ACC_W)
    nbt2 = nbt.reshape(1, 1)
    return pl.pallas_call(
        _tc_body,
        grid=(_NW,),
        in_specs=[
            pl.BlockSpec((1, _C_PAD, _ACC_W), lambda i: (i, 0, 0)),
            pl.BlockSpec((_N_CLASSES, _N_EMB), lambda i: (0, 0)),
            pl.BlockSpec((1, 1), lambda i: (0, 0)),
        ],
        out_specs=pl.BlockSpec((_N_CLASSES, _N_EMB), lambda i: (0, 0)),
        out_shape=jax.ShapeDtypeStruct((_N_CLASSES, _N_EMB), jnp.float32),
        scratch_shapes=[pltpu.VMEM((_C_PAD, _ACC_W), jnp.float32)],
    )(p3, centers, nbt2)


def kernel(x, y, centers, num_batches_tracked):
    partials = _sc_partials(x, y)
    new_centers = _tc_finalize(partials, centers, num_batches_tracked)
    return (x, new_centers)

# --- scband reference (transcript-rebuilt; emitter-appended) ---
"""Pipeline reference for scband-running-centers-30829275250754 (READ-ONLY COPY).

The authoritative reference and input builder live on the scoring server;
editing this copy changes nothing except your own understanding.
"""

import jax, jax.numpy as jnp
import numpy as np

N_CLASSES = 1000
N_EMB = 64
BATCH = 16384


def setup_inputs(seed: int = 0) -> dict:
    key = jax.random.key(seed)
    k1, k2, k3 = jax.random.split(key, 3)
    x = jax.random.normal(k1, (BATCH, N_EMB), dtype=jnp.float32)
    y = jax.random.randint(k2, (BATCH,), 0, N_CLASSES, dtype=jnp.int32)
    # buffers (state) of the module: running centers and batch counter
    centers = jax.random.normal(k3, (N_CLASSES, N_EMB), dtype=jnp.float32) * 0.1
    num_batches_tracked = jnp.ones((1,), dtype=jnp.float32)
    return {"x": x, "y": y, "centers": centers, "num_batches_tracked": num_batches_tracked}


def reference(x, y, centers, num_batches_tracked):
    # calculate_centers: per-class mean of embeddings (NaN rows for absent
    # classes never reach the state update, so a safe denominator is used).
    counts = jax.ops.segment_sum(jnp.ones((x.shape[0],), dtype=x.dtype), y, num_segments=N_CLASSES)
    sums = jax.ops.segment_sum(x, y, num_segments=N_CLASSES)
    present = counts > 0
    denom = jnp.where(present, counts, jnp.ones_like(counts))
    mu = sums / denom[:, None]
    # cumulative moving average update only for classes present in the batch
    nbt = num_batches_tracked[0]
    cma = mu + centers * nbt
    new_centers = jnp.where(present[:, None], cma / (nbt + 1.0), centers)
    # torch forward returns x; new_centers is the scatter-updated buffer state
    return (x, new_centers)

if __name__ == "__main__":
    import jax
    _d = setup_inputs()
    print(jax.jit(kernel)(*tuple(_d.values())))

</pallas_src>

<mosaic_0001>
#map = affine_map<(d0, d1) -> (0, 0)>
#map1 = affine_map<(d0, d1) -> (0)>
module attributes {stable_mosaic.version = 14 : i64} {
  func.func @k(%arg0: i32, %arg1: i32, %arg2: memref<16384x64xf32, #tpu.memory_space<hbm>>, %arg3: memref<16384xi32, #tpu.memory_space<hbm>>, %arg4: memref<81920xf32, #tpu.memory_space<hbm>>, %arg5: memref<32x81920xf32, #tpu.memory_space<hbm>>, %arg6: memref<128x64xf32, #tpu.memory_space<vmem>>, %arg7: memref<512xi32, #tpu.memory_space<vmem>>, %arg8: memref<81920xf32, #tpu.memory_space<vmem>>) attributes {dimension_semantics = [#tpu.dimension_semantics<core_parallel>, #tpu.dimension_semantics<subcore_parallel>], iteration_bounds = array<i64: 2, 16>, scalar_prefetch = 0 : i64, scratch_operands = 3 : i64, tpu.core_type = #tpu.core_type<sc_vector_subcore>, window_params = [{transform_indices = #map}, {transform_indices = #map1}, {transform_indices = #map1}, {transform_indices = #map}]} {
    %mul3A = arith.constant 16 : i32
    %mul3A_0 = arith.muli %arg0, %mul3A : i32
    %add3A = arith.addi %mul3A_0, %arg1 : i32
    %mul3A_1 = arith.constant 512 : i32
    %mul3A_2 = arith.muli %add3A, %mul3A_1 : i32
    "tpu.region"() ({
      %run_scoped3A = tpu.sem_alloc : memref<!tpu.dma_semaphore, #tpu.memory_space<semaphore_mem>>
      tpu.enqueue_dma source(%arg4 : memref<81920xf32, #tpu.memory_space<hbm>>) target(%arg8 : memref<81920xf32, #tpu.memory_space<vmem>>) target_semaphore(%run_scoped3A : memref<!tpu.dma_semaphore, #tpu.memory_space<semaphore_mem>>)
      tpu.wait_dma2 semaphore(%run_scoped3A : memref<!tpu.dma_semaphore, #tpu.memory_space<semaphore_mem>>) src(%arg4 : memref<81920xf32, #tpu.memory_space<hbm>>) dst(%arg8 : memref<81920xf32, #tpu.memory_space<vmem>>)
      tpu.yield
    }) : () -> ()
    "tpu.region"() ({
      %run_scoped3A = tpu.sem_alloc : memref<!tpu.dma_semaphore, #tpu.memory_space<semaphore_mem>>
      %dma_start3A = tpu.memref_slice %arg3[%mul3A_2] : memref<16384xi32, #tpu.memory_space<hbm>> -> memref<512xi32, #tpu.memory_space<hbm>>
      %dma_start3A_8 = tpu.memref_slice %arg3[%mul3A_2] : memref<16384xi32, #tpu.memory_space<hbm>> -> memref<512xi32, #tpu.memory_space<hbm>>
      tpu.enqueue_dma source(%dma_start3A_8 : memref<512xi32, #tpu.memory_space<hbm>>) target(%arg7 : memref<512xi32, #tpu.memory_space<vmem>>) target_semaphore(%run_scoped3A : memref<!tpu.dma_semaphore, #tpu.memory_space<semaphore_mem>>)
      %dma_wait3A = tpu.memref_slice %arg3[%mul3A_2] : memref<16384xi32, #tpu.memory_space<hbm>> -> memref<512xi32, #tpu.memory_space<hbm>>
      %dma_wait3A_9 = tpu.memref_slice %arg3[%mul3A_2] : memref<16384xi32, #tpu.memory_space<hbm>> -> memref<512xi32, #tpu.memory_space<hbm>>
      tpu.wait_dma2 semaphore(%run_scoped3A : memref<!tpu.dma_semaphore, #tpu.memory_space<semaphore_mem>>) src(%dma_wait3A_9 : memref<512xi32, #tpu.memory_space<hbm>>) dst(%arg7 : memref<512xi32, #tpu.memory_space<vmem>>)
      tpu.yield
    }) : () -> ()
    %iota3A = tpu.iota {dimensions = array<i32: 0>} : vector<16xi32>
    %broadcast_in_dim3A = arith.constant 1.000000e+00 : f32
    %broadcast_in_dim3A_3 = vector.broadcast %broadcast_in_dim3A : f32 to vector<16xf32>
    %scan3A = arith.constant 0 : i32
    %scan3A_4 = arith.constant 4 : i32
    %scan3A_5 = arith.addi %scan3A, %scan3A_4 : i32
    %scan3A_6 = arith.constant 1 : i32
    scf.for %scan3A_8 = %scan3A to %scan3A_5 step %scan3A_6  : i32 {
      %mul3A_9 = arith.constant 1 : i32
      %mul3A_10 = arith.muli %scan3A_8, %mul3A_9 : i32
      %add3A_11 = arith.constant 0 : i32
      %add3A_12 = arith.addi %add3A_11, %mul3A_10 : i32
      %mul3A_13 = arith.constant 128 : i32
      %mul3A_14 = arith.muli %add3A_12, %mul3A_13 : i32
      %add3A_15 = arith.addi %mul3A_2, %mul3A_14 : i32
      "tpu.region"() ({
        %run_scoped3A = tpu.sem_alloc : memref<!tpu.dma_semaphore, #tpu.memory_space<semaphore_mem>>
        %dma_start3A = arith.constant 0 : i32
        %dma_start3A_21 = tpu.memref_slice %arg2[%add3A_15, %dma_start3A] : memref<16384x64xf32, #tpu.memory_space<hbm>> -> memref<128x64xf32, #tpu.memory_space<hbm>>
        %dma_start3A_22 = arith.constant 0 : i32
        %dma_start3A_23 = tpu.memref_slice %arg2[%add3A_15, %dma_start3A_22] : memref<16384x64xf32, #tpu.memory_space<hbm>> -> memref<128x64xf32, #tpu.memory_space<hbm>>
        tpu.enqueue_dma source(%dma_start3A_23 : memref<128x64xf32, #tpu.memory_space<hbm>>) target(%arg6 : memref<128x64xf32, #tpu.memory_space<vmem>>) target_semaphore(%run_scoped3A : memref<!tpu.dma_semaphore, #tpu.memory_space<semaphore_mem>>)
        %dma_wait3A = arith.constant 0 : i32
        %dma_wait3A_24 = tpu.memref_slice %arg2[%add3A_15, %dma_wait3A] : memref<16384x64xf32, #tpu.memory_space<hbm>> -> memref<128x64xf32, #tpu.memory_space<hbm>>
        %dma_wait3A_25 = arith.constant 0 : i32
        %dma_wait3A_26 = tpu.memref_slice %arg2[%add3A_15, %dma_wait3A_25] : memref<16384x64xf32, #tpu.memory_space<hbm>> -> memref<128x64xf32, #tpu.memory_space<hbm>>
        tpu.wait_dma2 semaphore(%run_scoped3A : memref<!tpu.dma_semaphore, #tpu.memory_space<semaphore_mem>>) src(%dma_wait3A_26 : memref<128x64xf32, #tpu.memory_space<hbm>>) dst(%arg6 : memref<128x64xf32, #tpu.memory_space<vmem>>)
        tpu.yield
      }) : () -> ()
      %scan3A_16 = arith.constant 0 : i32
      %scan3A_17 = arith.constant 8 : i32
      %scan3A_18 = arith.addi %scan3A_16, %scan3A_17 : i32
      %scan3A_19 = arith.constant 1 : i32
      scf.for %scan3A_21 = %scan3A_16 to %scan3A_18 step %scan3A_19  : i32 {
        %mul3A_22 = arith.constant 1 : i32
        %mul3A_23 = arith.muli %scan3A_21, %mul3A_22 : i32
        %add3A_24 = arith.constant 0 : i32
        %add3A_25 = arith.addi %add3A_24, %mul3A_23 : i32
        %mul3A_26 = arith.constant 16 : i32
        %mul3A_27 = arith.muli %add3A_25, %mul3A_26 : i32
        %add3A_28 = arith.constant 0 : i32
        %add3A_29 = arith.addi %mul3A_27, %add3A_28 : i32
        %broadcast_in_dim3A_30 = arith.constant 0 : i32
        %broadcast_in_dim3A_31 = vector.broadcast %broadcast_in_dim3A_30 : i32 to vector<16xi32>
        %mul3A_32 = arith.constant 128 : i32
        %mul3A_33 = arith.muli %add3A_12, %mul3A_32 : i32
        %add3A_34 = arith.addi %mul3A_33, %add3A_29 : i32
        %add3A_35 = vector.broadcast %add3A_34 : i32 to vector<16xi32>
        %add3A_36 = arith.addi %broadcast_in_dim3A_31, %add3A_35 : vector<16xi32>
        %gather3A = tpu.vector_load_idx %arg7[%add3A_36] : memref<512xi32, #tpu.memory_space<vmem>>[vector<16xi32>], vector<16xi32>,
        %mul3A_37 = arith.constant 80 : i32
        %mul3A_38 = vector.broadcast %mul3A_37 : i32 to vector<16xi32>
        %mul3A_39 = arith.muli %gather3A, %mul3A_38 : vector<16xi32>
        %add3A_40 = arith.constant 0 : i32
        %add3A_41 = vector.broadcast %add3A_40 : i32 to vector<16xi32>
        %add3A_42 = arith.addi %iota3A, %add3A_41 : vector<16xi32>
        %add3A_43 = arith.addi %mul3A_39, %add3A_42 : vector<16xi32>
        %get3A = arith.index_cast %add3A_29 : i32 to index
        %get3A_44 = arith.constant 0 : index
        %get3A_45 = tpu.vector_load %arg6[%get3A, %get3A_44] {strides = array<i32>} : memref<128x64xf32, #tpu.memory_space<vmem>>, vector<16xf32>,
        tpu.vector_store_idx %arg8[%add3A_43], %get3A_45 {add = true} : memref<81920xf32, #tpu.memory_space<vmem>>[vector<16xi32>], vector<16xf32>,
        %add3A_46 = arith.constant 16 : i32
        %add3A_47 = vector.broadcast %add3A_46 : i32 to vector<16xi32>
        %add3A_48 = arith.addi %iota3A, %add3A_47 : vector<16xi32>
        %add3A_49 = arith.addi %mul3A_39, %add3A_48 : vector<16xi32>
        %get3A_50 = arith.index_cast %add3A_29 : i32 to index
        %get3A_51 = arith.constant 16 : index
        %get3A_52 = tpu.vector_load %arg6[%get3A_50, %get3A_51] {strides = array<i32>} : memref<128x64xf32, #tpu.memory_space<vmem>>, vector<16xf32>,
        tpu.vector_store_idx %arg8[%add3A_49], %get3A_52 {add = true} : memref<81920xf32, #tpu.memory_space<vmem>>[vector<16xi32>], vector<16xf32>,
        %add3A_53 = arith.constant 32 : i32
        %add3A_54 = vector.broadcast %add3A_53 : i32 to vector<16xi32>
        %add3A_55 = arith.addi %iota3A, %add3A_54 : vector<16xi32>
        %add3A_56 = arith.addi %mul3A_39, %add3A_55 : vector<16xi32>
        %get3A_57 = arith.index_cast %add3A_29 : i32 to index
        %get3A_58 = arith.constant 32 : index
        %get3A_59 = tpu.vector_load %arg6[%get3A_57, %get3A_58] {strides = array<i32>} : memref<128x64xf32, #tpu.memory_space<vmem>>, vector<16xf32>,
        tpu.vector_store_idx %arg8[%add3A_56], %get3A_59 {add = true} : memref<81920xf32, #tpu.memory_space<vmem>>[vector<16xi32>], vector<16xf32>,
        %add3A_60 = arith.constant 48 : i32
        %add3A_61 = vector.broadcast %add3A_60 : i32 to vector<16xi32>
        %add3A_62 = arith.addi %iota3A, %add3A_61 : vector<16xi32>
        %add3A_63 = arith.addi %mul3A_39, %add3A_62 : vector<16xi32>
        %get3A_64 = arith.index_cast %add3A_29 : i32 to index
        %get3A_65 = arith.constant 48 : index
        %get3A_66 = tpu.vector_load %arg6[%get3A_64, %get3A_65] {strides = array<i32>} : memref<128x64xf32, #tpu.memory_space<vmem>>, vector<16xf32>,
        tpu.vector_store_idx %arg8[%add3A_63], %get3A_66 {add = true} : memref<81920xf32, #tpu.memory_space<vmem>>[vector<16xi32>], vector<16xf32>,
        %add3A_67 = arith.constant 64 : i32
        %add3A_68 = vector.broadcast %add3A_67 : i32 to vector<16xi32>
        %add3A_69 = arith.addi %iota3A, %add3A_68 : vector<16xi32>
        %add3A_70 = arith.addi %mul3A_39, %add3A_69 : vector<16xi32>
        tpu.vector_store_idx %arg8[%add3A_70], %broadcast_in_dim3A_3 {add = true} : memref<81920xf32, #tpu.memory_space<vmem>>[vector<16xi32>], vector<16xf32>,
        %mul3A_71 = arith.constant 16 : i32
        %mul3A_72 = arith.muli %add3A_25, %mul3A_71 : i32
        %add3A_73 = arith.constant 1 : i32
        %add3A_74 = arith.addi %mul3A_72, %add3A_73 : i32
        %broadcast_in_dim3A_75 = arith.constant 0 : i32
        %broadcast_in_dim3A_76 = vector.broadcast %broadcast_in_dim3A_75 : i32 to vector<16xi32>
        %mul3A_77 = arith.constant 128 : i32
        %mul3A_78 = arith.muli %add3A_12, %mul3A_77 : i32
        %add3A_79 = arith.addi %mul3A_78, %add3A_74 : i32
        %add3A_80 = vector.broadcast %add3A_79 : i32 to vector<16xi32>
        %add3A_81 = arith.addi %broadcast_in_dim3A_76, %add3A_80 : vector<16xi32>
        %gather3A_82 = tpu.vector_load_idx %arg7[%add3A_81] : memref<512xi32, #tpu.memory_space<vmem>>[vector<16xi32>], vector<16xi32>,
        %mul3A_83 = arith.constant 80 : i32
        %mul3A_84 = vector.broadcast %mul3A_83 : i32 to vector<16xi32>
        %mul3A_85 = arith.muli %gather3A_82, %mul3A_84 : vector<16xi32>
        %add3A_86 = arith.constant 0 : i32
        %add3A_87 = vector.broadcast %add3A_86 : i32 to vector<16xi32>
        %add3A_88 = arith.addi %iota3A, %add3A_87 : vector<16xi32>
        %add3A_89 = arith.addi %mul3A_85, %add3A_88 : vector<16xi32>
        %get3A_90 = arith.index_cast %add3A_74 : i32 to index
        %get3A_91 = arith.constant 0 : index
        %get3A_92 = tpu.vector_load %arg6[%get3A_90, %get3A_91] {strides = array<i32>} : memref<128x64xf32, #tpu.memory_space<vmem>>, vector<16xf32>,
        tpu.vector_store_idx %arg8[%add3A_89], %get3A_92 {add = true} : memref<81920xf32, #tpu.memory_space<vmem>>[vector<16xi32>], vector<16xf32>,
        %add3A_93 = arith.constant 16 : i32
        %add3A_94 = vector.broadcast %add3A_93 : i32 to vector<16xi32>
        %add3A_95 = arith.addi %iota3A, %add3A_94 : vector<16xi32>
        %add3A_96 = arith.addi %mul3A_85, %add3A_95 : vector<16xi32>
        %get3A_97 = arith.index_cast %add3A_74 : i32 to index
        %get3A_98 = arith.constant 16 : index
        %get3A_99 = tpu.vector_load %arg6[%get3A_97, %get3A_98] {strides = array<i32>} : memref<128x64xf32, #tpu.memory_space<vmem>>, vector<16xf32>,
        tpu.vector_store_idx %arg8[%add3A_96], %get3A_99 {add = true} : memref<81920xf32, #tpu.memory_space<vmem>>[vector<16xi32>], vector<16xf32>,
        %add3A_100 = arith.constant 32 : i32
        %add3A_101 = vector.broadcast %add3A_100 : i32 to vector<16xi32>
        %add3A_102 = arith.addi %iota3A, %add3A_101 : vector<16xi32>
        %add3A_103 = arith.addi %mul3A_85, %add3A_102 : vector<16xi32>
        %get3A_104 = arith.index_cast %add3A_74 : i32 to index
        %get3A_105 = arith.constant 32 : index
        %get3A_106 = tpu.vector_load %arg6[%get3A_104, %get3A_105] {strides = array<i32>} : memref<128x64xf32, #tpu.memory_space<vmem>>, vector<16xf32>,
        tpu.vector_store_idx %arg8[%add3A_103], %get3A_106 {add = true} : memref<81920xf32, #tpu.memory_space<vmem>>[vector<16xi32>], vector<16xf32>,
        %add3A_107 = arith.constant 48 : i32
        %add3A_108 = vector.broadcast %add3A_107 : i32 to vector<16xi32>
        %add3A_109 = arith.addi %iota3A, %add3A_108 : vector<16xi32>
        %add3A_110 = arith.addi %mul3A_85, %add3A_109 : vector<16xi32>
        %get3A_111 = arith.index_cast %add3A_74 : i32 to index
        %get3A_112 = arith.constant 48 : index
        %get3A_113 = tpu.vector_load %arg6[%get3A_111, %get3A_112] {strides = array<i32>} : memref<128x64xf32, #tpu.memory_space<vmem>>, vector<16xf32>,
        tpu.vector_store_idx %arg8[%add3A_110], %get3A_113 {add = true} : memref<81920xf32, #tpu.memory_space<vmem>>[vector<16xi32>], vector<16xf32>,
        %add3A_114 = arith.constant 64 : i32
        %add3A_115 = vector.broadcast %add3A_114 : i32 to vector<16xi32>
        %add3A_116 = arith.addi %iota3A, %add3A_115 : vector<16xi32>
        %add3A_117 = arith.addi %mul3A_85, %add3A_116 : vector<16xi32>
        tpu.vector_store_idx %arg8[%add3A_117], %broadcast_in_dim3A_3 {add = true} : memref<81920xf32, #tpu.memory_space<vmem>>[vector<16xi32>], vector<16xf32>,
        %mul3A_118 = arith.constant 16 : i32
        %mul3A_119 = arith.muli %add3A_25, %mul3A_118 : i32
        %add3A_120 = arith.constant 2 : i32
        %add3A_121 = arith.addi %mul3A_119, %add3A_120 : i32
        %broadcast_in_dim3A_122 = arith.constant 0 : i32
        %broadcast_in_dim3A_123 = vector.broadcast %broadcast_in_dim3A_122 : i32 to vector<16xi32>
        %mul3A_124 = arith.constant 128 : i32
        %mul3A_125 = arith.muli %add3A_12, %mul3A_124 : i32
        %add3A_126 = arith.addi %mul3A_125, %add3A_121 : i32
        %add3A_127 = vector.broadcast %add3A_126 : i32 to vector<16xi32>
        %add3A_128 = arith.addi %broadcast_in_dim3A_123, %add3A_127 : vector<16xi32>
        %gather3A_129 = tpu.vector_load_idx %arg7[%add3A_128] : memref<512xi32, #tpu.memory_space<vmem>>[vector<16xi32>], vector<16xi32>,
        %mul3A_130 = arith.constant 80 : i32
        %mul3A_131 = vector.broadcast %mul3A_130 : i32 to vector<16xi32>
        %mul3A_132 = arith.muli %gather3A_129, %mul3A_131 : vector<16xi32>
        %add3A_133 = arith.constant 0 : i32
        %add3A_134 = vector.broadcast %add3A_133 : i32 to vector<16xi32>
        %add3A_135 = arith.addi %iota3A, %add3A_134 : vector<16xi32>
        %add3A_136 = arith.addi %mul3A_132, %add3A_135 : vector<16xi32>
        %get3A_137 = arith.index_cast %add3A_121 : i32 to index
        %get3A_138 = arith.constant 0 : index
        %get3A_139 = tpu.vector_load %arg6[%get3A_137, %get3A_138] {strides = array<i32>} : memref<128x64xf32, #tpu.memory_space<vmem>>, vector<16xf32>,
        tpu.vector_store_idx %arg8[%add3A_136], %get3A_139 {add = true} : memref<81920xf32, #tpu.memory_space<vmem>>[vector<16xi32>], vector<16xf32>,
        %add3A_140 = arith.constant 16 : i32
        %add3A_141 = vector.broadcast %add3A_140 : i32 to vector<16xi32>
        %add3A_142 = arith.addi %iota3A, %add3A_141 : vector<16xi32>
        %add3A_143 = arith.addi %mul3A_132, %add3A_142 : vector<16xi32>
        %get3A_144 = arith.index_cast %add3A_121 : i32 to index
        %get3A_145 = arith.constant 16 : index
        %get3A_146 = tpu.vector_load %arg6[%get3A_144, %get3A_145] {strides = array<i32>} : memref<128x64xf32, #tpu.memory_space<vmem>>, vector<16xf32>,
        tpu.vector_store_idx %arg8[%add3A_143], %get3A_146 {add = true} : memref<81920xf32, #tpu.memory_space<vmem>>[vector<16xi32>], vector<16xf32>,
        %add3A_147 = arith.constant 32 : i32
        %add3A_148 = vector.broadcast %add3A_147 : i32 to vector<16xi32>
        %add3A_149 = arith.addi %iota3A, %add3A_148 : vector<16xi32>
        %add3A_150 = arith.addi %mul3A_132, %add3A_149 : vector<16xi32>
        %get3A_151 = arith.index_cast %add3A_121 : i32 to index
        %get3A_152 = arith.constant 32 : index
        %get3A_153 = tpu.vector_load %arg6[%get3A_151, %get3A_152] {strides = array<i32>} : memref<128x64xf32, #tpu.memory_space<vmem>>, vector<16xf32>,
        tpu.vector_store_idx %arg8[%add3A_150], %get3A_153 {add = true} : memref<81920xf32, #tpu.memory_space<vmem>>[vector<16xi32>], vector<16xf32>,
        %add3A_154 = arith.constant 48 : i32
        %add3A_155 = vector.broadcast %add3A_154 : i32 to vector<16xi32>
        %add3A_156 = arith.addi %iota3A, %add3A_155 : vector<16xi32>
        %add3A_157 = arith.addi %mul3A_132, %add3A_156 : vector<16xi32>
        %get3A_158 = arith.index_cast %add3A_121 : i32 to index
        %get3A_159 = arith.constant 48 : index
        %get3A_160 = tpu.vector_load %arg6[%get3A_158, %get3A_159] {strides = array<i32>} : memref<128x64xf32, #tpu.memory_space<vmem>>, vector<16xf32>,
        tpu.vector_store_idx %arg8[%add3A_157], %get3A_160 {add = true} : memref<81920xf32, #tpu.memory_space<vmem>>[vector<16xi32>], vector<16xf32>,
        %add3A_161 = arith.constant 64 : i32
        %add3A_162 = vector.broadcast %add3A_161 : i32 to vector<16xi32>
        %add3A_163 = arith.addi %iota3A, %add3A_162 : vector<16xi32>
        %add3A_164 = arith.addi %mul3A_132, %add3A_163 : vector<16xi32>
        tpu.vector_store_idx %arg8[%add3A_164], %broadcast_in_dim3A_3 {add = true} : memref<81920xf32, #tpu.memory_space<vmem>>[vector<16xi32>], vector<16xf32>,
        %mul3A_165 = arith.constant 16 : i32
        %mul3A_166 = arith.muli %add3A_25, %mul3A_165 : i32
        %add3A_167 = arith.constant 3 : i32
        %add3A_168 = arith.addi %mul3A_166, %add3A_167 : i32
        %broadcast_in_dim3A_169 = arith.constant 0 : i32
        %broadcast_in_dim3A_170 = vector.broadcast %broadcast_in_dim3A_169 : i32 to vector<16xi32>
        %mul3A_171 = arith.constant 128 : i32
        %mul3A_172 = arith.muli %add3A_12, %mul3A_171 : i32
        %add3A_173 = arith.addi %mul3A_172, %add3A_168 : i32
        %add3A_174 = vector.broadcast %add3A_173 : i32 to vector<16xi32>
        %add3A_175 = arith.addi %broadcast_in_dim3A_170, %add3A_174 : vector<16xi32>
        %gather3A_176 = tpu.vector_load_idx %arg7[%add3A_175] : memref<512xi32, #tpu.memory_space<vmem>>[vector<16xi32>], vector<16xi32>,
        %mul3A_177 = arith.constant 80 : i32
        %mul3A_178 = vector.broadcast %mul3A_177 : i32 to vector<16xi32>
        %mul3A_179 = arith.muli %gather3A_176, %mul3A_178 : vector<16xi32>
        %add3A_180 = arith.constant 0 : i32
        %add3A_181 = vector.broadcast %add3A_180 : i32 to vector<16xi32>
        %add3A_182 = arith.addi %iota3A, %add3A_181 : vector<16xi32>
        %add3A_183 = arith.addi %mul3A_179, %add3A_182 : vector<16xi32>
        %get3A_184 = arith.index_cast %add3A_168 : i32 to index
        %get3A_185 = arith.constant 0 : index
        %get3A_186 = tpu.vector_load %arg6[%get3A_184, %get3A_185] {strides = array<i32>} : memref<128x64xf32, #tpu.memory_space<vmem>>, vector<16xf32>,
        tpu.vector_store_idx %arg8[%add3A_183], %get3A_186 {add = true} : memref<81920xf32, #tpu.memory_space<vmem>>[vector<16xi32>], vector<16xf32>,
        %add3A_187 = arith.constant 16 : i32
        %add3A_188 = vector.broadcast %add3A_187 : i32 to vector<16xi32>
        %add3A_189 = arith.addi %iota3A, %add3A_188 : vector<16xi32>
        %add3A_190 = arith.addi %mul3A_179, %add3A_189 : vector<16xi32>
        %get3A_191 = arith.index_cast %add3A_168 : i32 to index
        %get3A_192 = arith.constant 16 : index
        %get3A_193 = tpu.vector_load %arg6[%get3A_191, %get3A_192] {strides = array<i32>} : memref<128x64xf32, #tpu.memory_space<vmem>>, vector<16xf32>,
        tpu.vector_store_idx %arg8[%add3A_190], %get3A_193 {add = true} : memref<81920xf32, #tpu.memory_space<vmem>>[vector<16xi32>], vector<16xf32>,
        %add3A_194 = arith.constant 32 : i32
        %add3A_195 = vector.broadcast %add3A_194 : i32 to vector<16xi32>
        %add3A_196 = arith.addi %iota3A, %add3A_195 : vector<16xi32>
        %add3A_197 = arith.addi %mul3A_179, %add3A_196 : vector<16xi32>
        %get3A_198 = arith.index_cast %add3A_168 : i32 to index
        %get3A_199 = arith.constant 32 : index
        %get3A_200 = tpu.vector_load %arg6[%get3A_198, %get3A_199] {strides = array<i32>} : memref<128x64xf32, #tpu.memory_space<vmem>>, vector<16xf32>,
        tpu.vector_store_idx %arg8[%add3A_197], %get3A_200 {add = true} : memref<81920xf32, #tpu.memory_space<vmem>>[vector<16xi32>], vector<16xf32>,
        %add3A_201 = arith.constant 48 : i32
        %add3A_202 = vector.broadcast %add3A_201 : i32 to vector<16xi32>
        %add3A_203 = arith.addi %iota3A, %add3A_202 : vector<16xi32>
        %add3A_204 = arith.addi %mul3A_179, %add3A_203 : vector<16xi32>
        %get3A_205 = arith.index_cast %add3A_168 : i32 to index
        %get3A_206 = arith.constant 48 : index
        %get3A_207 = tpu.vector_load %arg6[%get3A_205, %get3A_206] {strides = array<i32>} : memref<128x64xf32, #tpu.memory_space<vmem>>, vector<16xf32>,
        tpu.vector_store_idx %arg8[%add3A_204], %get3A_207 {add = true} : memref<81920xf32, #tpu.memory_space<vmem>>[vector<16xi32>], vector<16xf32>,
        %add3A_208 = arith.constant 64 : i32
        %add3A_209 = vector.broadcast %add3A_208 : i32 to vector<16xi32>
        %add3A_210 = arith.addi %iota3A, %add3A_209 : vector<16xi32>
        %add3A_211 = arith.addi %mul3A_179, %add3A_210 : vector<16xi32>
        tpu.vector_store_idx %arg8[%add3A_211], %broadcast_in_dim3A_3 {add = true} : memref<81920xf32, #tpu.memory_space<vmem>>[vector<16xi32>], vector<16xf32>,
        %mul3A_212 = arith.constant 16 : i32
        %mul3A_213 = arith.muli %add3A_25, %mul3A_212 : i32
        %add3A_214 = arith.constant 4 : i32
        %add3A_215 = arith.addi %mul3A_213, %add3A_214 : i32
        %broadcast_in_dim3A_216 = arith.constant 0 : i32
        %broadcast_in_dim3A_217 = vector.broadcast %broadcast_in_dim3A_216 : i32 to vector<16xi32>
        %mul3A_218 = arith.constant 128 : i32
        %mul3A_219 = arith.muli %add3A_12, %mul3A_218 : i32
        %add3A_220 = arith.addi %mul3A_219, %add3A_215 : i32
        %add3A_221 = vector.broadcast %add3A_220 : i32 to vector<16xi32>
        %add3A_222 = arith.addi %broadcast_in_dim3A_217, %add3A_221 : vector<16xi32>
        %gather3A_223 = tpu.vector_load_idx %arg7[%add3A_222] : memref<512xi32, #tpu.memory_space<vmem>>[vector<16xi32>], vector<16xi32>,
        %mul3A_224 = arith.constant 80 : i32
        %mul3A_225 = vector.broadcast %mul3A_224 : i32 to vector<16xi32>
        %mul3A_226 = arith.muli %gather3A_223, %mul3A_225 : vector<16xi32>
        %add3A_227 = arith.constant 0 : i32
        %add3A_228 = vector.broadcast %add3A_227 : i32 to vector<16xi32>
        %add3A_229 = arith.addi %iota3A, %add3A_228 : vector<16xi32>
        %add3A_230 = arith.addi %mul3A_226, %add3A_229 : vector<16xi32>
        %get3A_231 = arith.index_cast %add3A_215 : i32 to index
        %get3A_232 = arith.constant 0 : index
        %get3A_233 = tpu.vector_load %arg6[%get3A_231, %get3A_232] {strides = array<i32>} : memref<128x64xf32, #tpu.memory_space<vmem>>, vector<16xf32>,
        tpu.vector_store_idx %arg8[%add3A_230], %get3A_233 {add = true} : memref<81920xf32, #tpu.memory_space<vmem>>[vector<16xi32>], vector<16xf32>,
        %add3A_234 = arith.constant 16 : i32
        %add3A_235 = vector.broadcast %add3A_234 : i32 to vector<16xi32>
        %add3A_236 = arith.addi %iota3A, %add3A_235 : vector<16xi32>
        %add3A_237 = arith.addi %mul3A_226, %add3A_236 : vector<16xi32>
        %get3A_238 = arith.index_cast %add3A_215 : i32 to index
        %get3A_239 = arith.constant 16 : index
        %get3A_240 = tpu.vector_load %arg6[%get3A_238, %get3A_239] {strides = array<i32>} : memref<128x64xf32, #tpu.memory_space<vmem>>, vector<16xf32>,
        tpu.vector_store_idx %arg8[%add3A_237], %get3A_240 {add = true} : memref<81920xf32, #tpu.memory_space<vmem>>[vector<16xi32>], vector<16xf32>,
        %add3A_241 = arith.constant 32 : i32
        %add3A_242 = vector.broadcast %add3A_241 : i32 to vector<16xi32>
        %add3A_243 = arith.addi %iota3A, %add3A_242 : vector<16xi32>
        %add3A_244 = arith.addi %mul3A_226, %add3A_243 : vector<16xi32>
        %get3A_245 = arith.index_cast %add3A_215 : i32 to index
        %get3A_246 = arith.constant 32 : index
        %get3A_247 = tpu.vector_load %arg6[%get3A_245, %get3A_246] {strides = array<i32>} : memref<128x64xf32, #tpu.memory_space<vmem>>, vector<16xf32>,
        tpu.vector_store_idx %arg8[%add3A_244], %get3A_247 {add = true} : memref<81920xf32, #tpu.memory_space<vmem>>[vector<16xi32>], vector<16xf32>,
        %add3A_248 = arith.constant 48 : i32
        %add3A_249 = vector.broadcast %add3A_248 : i32 to vector<16xi32>
        %add3A_250 = arith.addi %iota3A, %add3A_249 : vector<16xi32>
        %add3A_251 = arith.addi %mul3A_226, %add3A_250 : vector<16xi32>
        %get3A_252 = arith.index_cast %add3A_215 : i32 to index
        %get3A_253 = arith.constant 48 : index
        %get3A_254 = tpu.vector_load %arg6[%get3A_252, %get3A_253] {strides = array<i32>} : memref<128x64xf32, #tpu.memory_space<vmem>>, vector<16xf32>,
        tpu.vector_store_idx %arg8[%add3A_251], %get3A_254 {add = true} : memref<81920xf32, #tpu.memory_space<vmem>>[vector<16xi32>], vector<16xf32>,
        %add3A_255 = arith.constant 64 : i32
        %add3A_256 = vector.broadcast %add3A_255 : i32 to vector<16xi32>
        %add3A_257 = arith.addi %iota3A, %add3A_256 : vector<16xi32>
        %add3A_258 = arith.addi %mul3A_226, %add3A_257 : vector<16xi32>
        tpu.vector_store_idx %arg8[%add3A_258], %broadcast_in_dim3A_3 {add = true} : memref<81920xf32, #tpu.memory_space<vmem>>[vector<16xi32>], vector<16xf32>,
        %mul3A_259 = arith.constant 16 : i32
        %mul3A_260 = arith.muli %add3A_25, %mul3A_259 : i32
        %add3A_261 = arith.constant 5 : i32
        %add3A_262 = arith.addi %mul3A_260, %add3A_261 : i32
        %broadcast_in_dim3A_263 = arith.constant 0 : i32
        %broadcast_in_dim3A_264 = vector.broadcast %broadcast_in_dim3A_263 : i32 to vector<16xi32>
        %mul3A_265 = arith.constant 128 : i32
        %mul3A_266 = arith.muli %add3A_12, %mul3A_265 : i32
        %add3A_267 = arith.addi %mul3A_266, %add3A_262 : i32
        %add3A_268 = vector.broadcast %add3A_267 : i32 to vector<16xi32>
        %add3A_269 = arith.addi %broadcast_in_dim3A_264, %add3A_268 : vector<16xi32>
        %gather3A_270 = tpu.vector_load_idx %arg7[%add3A_269] : memref<512xi32, #tpu.memory_space<vmem>>[vector<16xi32>], vector<16xi32>,
        %mul3A_271 = arith.constant 80 : i32
        %mul3A_272 = vector.broadcast %mul3A_271 : i32 to vector<16xi32>
        %mul3A_273 = arith.muli %gather3A_270, %mul3A_272 : vector<16xi32>
        %add3A_274 = arith.constant 0 : i32
        %add3A_275 = vector.broadcast %add3A_274 : i32 to vector<16xi32>
        %add3A_276 = arith.addi %iota3A, %add3A_275 : vector<16xi32>
        %add3A_277 = arith.addi %mul3A_273, %add3A_276 : vector<16xi32>
        %get3A_278 = arith.index_cast %add3A_262 : i32 to index
        %get3A_279 = arith.constant 0 : index
        %get3A_280 = tpu.vector_load %arg6[%get3A_278, %get3A_279] {strides = array<i32>} : memref<128x64xf32, #tpu.memory_space<vmem>>, vector<16xf32>,
        tpu.vector_store_idx %arg8[%add3A_277], %get3A_280 {add = true} : memref<81920xf32, #tpu.memory_space<vmem>>[vector<16xi32>], vector<16xf32>,
        %add3A_281 = arith.constant 16 : i32
        %add3A_282 = vector.broadcast %add3A_281 : i32 to vector<16xi32>
        %add3A_283 = arith.addi %iota3A, %add3A_282 : vector<16xi32>
        %add3A_284 = arith.addi %mul3A_273, %add3A_283 : vector<16xi32>
        %get3A_285 = arith.index_cast %add3A_262 : i32 to index
        %get3A_286 = arith.constant 16 : index
        %get3A_287 = tpu.vector_load %arg6[%get3A_285, %get3A_286] {strides = array<i32>} : memref<128x64xf32, #tpu.memory_space<vmem>>, vector<16xf32>,
        tpu.vector_store_idx %arg8[%add3A_284], %get3A_287 {add = true} : memref<81920xf32, #tpu.memory_space<vmem>>[vector<16xi32>], vector<16xf32>,
        %add3A_288 = arith.constant 32 : i32
        %add3A_289 = vector.broadcast %add3A_288 : i32 to vector<16xi32>
        %add3A_290 = arith.addi %iota3A, %add3A_289 : vector<16xi32>
        %add3A_291 = arith.addi %mul3A_273, %add3A_290 : vector<16xi32>
        %get3A_292 = arith.index_cast %add3A_262 : i32 to index
        %get3A_293 = arith.constant 32 : index
        %get3A_294 = tpu.vector_load %arg6[%get3A_292, %get3A_293] {strides = array<i32>} : memref<128x64xf32, #tpu.memory_space<vmem>>, vector<16xf32>,
        tpu.vector_store_idx %arg8[%add3A_291], %get3A_294 {add = true} : memref<81920xf32, #tpu.memory_space<vmem>>[vector<16xi32>], vector<16xf32>,
        %add3A_295 = arith.constant 48 : i32
        %add3A_296 = vector.broadcast %add3A_295 : i32 to vector<16xi32>
        %add3A_297 = arith.addi %iota3A, %add3A_296 : vector<16xi32>
        %add3A_298 = arith.addi %mul3A_273, %add3A_297 : vector<16xi32>
        %get3A_299 = arith.index_cast %add3A_262 : i32 to index
        %get3A_300 = arith.constant 48 : index
        %get3A_301 = tpu.vector_load %arg6[%get3A_299, %get3A_300] {strides = array<i32>} : memref<128x64xf32, #tpu.memory_space<vmem>>, vector<16xf32>,
        tpu.vector_store_idx %arg8[%add3A_298], %get3A_301 {add = true} : memref<81920xf32, #tpu.memory_space<vmem>>[vector<16xi32>], vector<16xf32>,
        %add3A_302 = arith.constant 64 : i32
        %add3A_303 = vector.broadcast %add3A_302 : i32 to vector<16xi32>
        %add3A_304 = arith.addi %iota3A, %add3A_303 : vector<16xi32>
        %add3A_305 = arith.addi %mul3A_273, %add3A_304 : vector<16xi32>
        tpu.vector_store_idx %arg8[%add3A_305], %broadcast_in_dim3A_3 {add = true} : memref<81920xf32, #tpu.memory_space<vmem>>[vector<16xi32>], vector<16xf32>,
        %mul3A_306 = arith.constant 16 : i32
        %mul3A_307 = arith.muli %add3A_25, %mul3A_306 : i32
        %add3A_308 = arith.constant 6 : i32
        %add3A_309 = arith.addi %mul3A_307, %add3A_308 : i32
        %broadcast_in_dim3A_310 = arith.constant 0 : i32
        %broadcast_in_dim3A_311 = vector.broadcast %broadcast_in_dim3A_310 : i32 to vector<16xi32>
        %mul3A_312 = arith.constant 128 : i32
        %mul3A_313 = arith.muli %add3A_12, %mul3A_312 : i32
        %add3A_314 = arith.addi %mul3A_313, %add3A_309 : i32
        %add3A_315 = vector.broadcast %add3A_314 : i32 to vector<16xi32>
        %add3A_316 = arith.addi %broadcast_in_dim3A_311, %add3A_315 : vector<16xi32>
        %gather3A_317 = tpu.vector_load_idx %arg7[%add3A_316] : memref<512xi32, #tpu.memory_space<vmem>>[vector<16xi32>], vector<16xi32>,
        %mul3A_318 = arith.constant 80 : i32
        %mul3A_319 = vector.broadcast %mul3A_318 : i32 to vector<16xi32>
        %mul3A_320 = arith.muli %gather3A_317, %mul3A_319 : vector<16xi32>
        %add3A_321 = arith.constant 0 : i32
        %add3A_322 = vector.broadcast %add3A_321 : i32 to vector<16xi32>
        %add3A_323 = arith.addi %iota3A, %add3A_322 : vector<16xi32>
        %add3A_324 = arith.addi %mul3A_320, %add3A_323 : vector<16xi32>
        %get3A_325 = arith.index_cast %add3A_309 : i32 to index
        %get3A_326 = arith.constant 0 : index
        %get3A_327 = tpu.vector_load %arg6[%get3A_325, %get3A_326] {strides = array<i32>} : memref<128x64xf32, #tpu.memory_space<vmem>>, vector<16xf32>,
        tpu.vector_store_idx %arg8[%add3A_324], %get3A_327 {add = true} : memref<81920xf32, #tpu.memory_space<vmem>>[vector<16xi32>], vector<16xf32>,
        %add3A_328 = arith.constant 16 : i32
        %add3A_329 = vector.broadcast %add3A_328 : i32 to vector<16xi32>
        %add3A_330 = arith.addi %iota3A, %add3A_329 : vector<16xi32>
        %add3A_331 = arith.addi %mul3A_320, %add3A_330 : vector<16xi32>
        %get3A_332 = arith.index_cast %add3A_309 : i32 to index
        %get3A_333 = arith.constant 16 : index
        %get3A_334 = tpu.vector_load %arg6[%get3A_332, %get3A_333] {strides = array<i32>} : memref<128x64xf32, #tpu.memory_space<vmem>>, vector<16xf32>,
        tpu.vector_store_idx %arg8[%add3A_331], %get3A_334 {add = true} : memref<81920xf32, #tpu.memory_space<vmem>>[vector<16xi32>], vector<16xf32>,
        %add3A_335 = arith.constant 32 : i32
        %add3A_336 = vector.broadcast %add3A_335 : i32 to vector<16xi32>
        %add3A_337 = arith.addi %iota3A, %add3A_336 : vector<16xi32>
        %add3A_338 = arith.addi %mul3A_320, %add3A_337 : vector<16xi32>
        %get3A_339 = arith.index_cast %add3A_309 : i32 to index
        %get3A_340 = arith.constant 32 : index
        %get3A_341 = tpu.vector_load %arg6[%get3A_339, %get3A_340] {strides = array<i32>} : memref<128x64xf32, #tpu.memory_space<vmem>>, vector<16xf32>,
        tpu.vector_store_idx %arg8[%add3A_338], %get3A_341 {add = true} : memref<81920xf32, #tpu.memory_space<vmem>>[vector<16xi32>], vector<16xf32>,
        %add3A_342 = arith.constant 48 : i32
        %add3A_343 = vector.broadcast %add3A_342 : i32 to vector<16xi32>
        %add3A_344 = arith.addi %iota3A, %add3A_343 : vector<16xi32>
        %add3A_345 = arith.addi %mul3A_320, %add3A_344 : vector<16xi32>
        %get3A_346 = arith.index_cast %add3A_309 : i32 to index
        %get3A_347 = arith.constant 48 : index
        %get3A_348 = tpu.vector_load %arg6[%get3A_346, %get3A_347] {strides = array<i32>} : memref<128x64xf32, #tpu.memory_space<vmem>>, vector<16xf32>,
        tpu.vector_store_idx %arg8[%add3A_345], %get3A_348 {add = true} : memref<81920xf32, #tpu.memory_space<vmem>>[vector<16xi32>], vector<16xf32>,
        %add3A_349 = arith.constant 64 : i32
        %add3A_350 = vector.broadcast %add3A_349 : i32 to vector<16xi32>
        %add3A_351 = arith.addi %iota3A, %add3A_350 : vector<16xi32>
        %add3A_352 = arith.addi %mul3A_320, %add3A_351 : vector<16xi32>
        tpu.vector_store_idx %arg8[%add3A_352], %broadcast_in_dim3A_3 {add = true} : memref<81920xf32, #tpu.memory_space<vmem>>[vector<16xi32>], vector<16xf32>,
        %mul3A_353 = arith.constant 16 : i32
        %mul3A_354 = arith.muli %add3A_25, %mul3A_353 : i32
        %add3A_355 = arith.constant 7 : i32
        %add3A_356 = arith.addi %mul3A_354, %add3A_355 : i32
        %broadcast_in_dim3A_357 = arith.constant 0 : i32
        %broadcast_in_dim3A_358 = vector.broadcast %broadcast_in_dim3A_357 : i32 to vector<16xi32>
        %mul3A_359 = arith.constant 128 : i32
        %mul3A_360 = arith.muli %add3A_12, %mul3A_359 : i32
        %add3A_361 = arith.addi %mul3A_360, %add3A_356 : i32
        %add3A_362 = vector.broadcast %add3A_361 : i32 to vector<16xi32>
        %add3A_363 = arith.addi %broadcast_in_dim3A_358, %add3A_362 : vector<16xi32>
        %gather3A_364 = tpu.vector_load_idx %arg7[%add3A_363] : memref<512xi32, #tpu.memory_space<vmem>>[vector<16xi32>], vector<16xi32>,
        %mul3A_365 = arith.constant 80 : i32
        %mul3A_366 = vector.broadcast %mul3A_365 : i32 to vector<16xi32>
        %mul3A_367 = arith.muli %gather3A_364, %mul3A_366 : vector<16xi32>
        %add3A_368 = arith.constant 0 : i32
        %add3A_369 = vector.broadcast %add3A_368 : i32 to vector<16xi32>
        %add3A_370 = arith.addi %iota3A, %add3A_369 : vector<16xi32>
        %add3A_371 = arith.addi %mul3A_367, %add3A_370 : vector<16xi32>
        %get3A_372 = arith.index_cast %add3A_356 : i32 to index
        %get3A_373 = arith.constant 0 : index
        %get3A_374 = tpu.vector_load %arg6[%get3A_372, %get3A_373] {strides = array<i32>} : memref<128x64xf32, #tpu.memory_space<vmem>>, vector<16xf32>,
        tpu.vector_store_idx %arg8[%add3A_371], %get3A_374 {add = true} : memref<81920xf32, #tpu.memory_space<vmem>>[vector<16xi32>], vector<16xf32>,
        %add3A_375 = arith.constant 16 : i32
        %add3A_376 = vector.broadcast %add3A_375 : i32 to vector<16xi32>
        %add3A_377 = arith.addi %iota3A, %add3A_376 : vector<16xi32>
        %add3A_378 = arith.addi %mul3A_367, %add3A_377 : vector<16xi32>
        %get3A_379 = arith.index_cast %add3A_356 : i32 to index
        %get3A_380 = arith.constant 16 : index
        %get3A_381 = tpu.vector_load %arg6[%get3A_379, %get3A_380] {strides = array<i32>} : memref<128x64xf32, #tpu.memory_space<vmem>>, vector<16xf32>,
        tpu.vector_store_idx %arg8[%add3A_378], %get3A_381 {add = true} : memref<81920xf32, #tpu.memory_space<vmem>>[vector<16xi32>], vector<16xf32>,
        %add3A_382 = arith.constant 32 : i32
        %add3A_383 = vector.broadcast %add3A_382 : i32 to vector<16xi32>
        %add3A_384 = arith.addi %iota3A, %add3A_383 : vector<16xi32>
        %add3A_385 = arith.addi %mul3A_367, %add3A_384 : vector<16xi32>
        %get3A_386 = arith.index_cast %add3A_356 : i32 to index
        %get3A_387 = arith.constant 32 : index
        %get3A_388 = tpu.vector_load %arg6[%get3A_386, %get3A_387] {strides = array<i32>} : memref<128x64xf32, #tpu.memory_space<vmem>>, vector<16xf32>,
        tpu.vector_store_idx %arg8[%add3A_385], %get3A_388 {add = true} : memref<81920xf32, #tpu.memory_space<vmem>>[vector<16xi32>], vector<16xf32>,
        %add3A_389 = arith.constant 48 : i32
        %add3A_390 = vector.broadcast %add3A_389 : i32 to vector<16xi32>
        %add3A_391 = arith.addi %iota3A, %add3A_390 : vector<16xi32>
        %add3A_392 = arith.addi %mul3A_367, %add3A_391 : vector<16xi32>
        %get3A_393 = arith.index_cast %add3A_356 : i32 to index
        %get3A_394 = arith.constant 48 : index
        %get3A_395 = tpu.vector_load %arg6[%get3A_393, %get3A_394] {strides = array<i32>} : memref<128x64xf32, #tpu.memory_space<vmem>>, vector<16xf32>,
        tpu.vector_store_idx %arg8[%add3A_392], %get3A_395 {add = true} : memref<81920xf32, #tpu.memory_space<vmem>>[vector<16xi32>], vector<16xf32>,
        %add3A_396 = arith.constant 64 : i32
        %add3A_397 = vector.broadcast %add3A_396 : i32 to vector<16xi32>
        %add3A_398 = arith.addi %iota3A, %add3A_397 : vector<16xi32>
        %add3A_399 = arith.addi %mul3A_367, %add3A_398 : vector<16xi32>
        tpu.vector_store_idx %arg8[%add3A_399], %broadcast_in_dim3A_3 {add = true} : memref<81920xf32, #tpu.memory_space<vmem>>[vector<16xi32>], vector<16xf32>,
        %mul3A_400 = arith.constant 16 : i32
        %mul3A_401 = arith.muli %add3A_25, %mul3A_400 : i32
        %add3A_402 = arith.constant 8 : i32
        %add3A_403 = arith.addi %mul3A_401, %add3A_402 : i32
        %broadcast_in_dim3A_404 = arith.constant 0 : i32
        %broadcast_in_dim3A_405 = vector.broadcast %broadcast_in_dim3A_404 : i32 to vector<16xi32>
        %mul3A_406 = arith.constant 128 : i32
        %mul3A_407 = arith.muli %add3A_12, %mul3A_406 : i32
        %add3A_408 = arith.addi %mul3A_407, %add3A_403 : i32
        %add3A_409 = vector.broadcast %add3A_408 : i32 to vector<16xi32>
        %add3A_410 = arith.addi %broadcast_in_dim3A_405, %add3A_409 : vector<16xi32>
        %gather3A_411 = tpu.vector_load_idx %arg7[%add3A_410] : memref<512xi32, #tpu.memory_space<vmem>>[vector<16xi32>], vector<16xi32>,
        %mul3A_412 = arith.constant 80 : i32
        %mul3A_413 = vector.broadcast %mul3A_412 : i32 to vector<16xi32>
        %mul3A_414 = arith.muli %gather3A_411, %mul3A_413 : vector<16xi32>
        %add3A_415 = arith.constant 0 : i32
        %add3A_416 = vector.broadcast %add3A_415 : i32 to vector<16xi32>
        %add3A_417 = arith.addi %iota3A, %add3A_416 : vector<16xi32>
        %add3A_418 = arith.addi %mul3A_414, %add3A_417 : vector<16xi32>
        %get3A_419 = arith.index_cast %add3A_403 : i32 to index
        %get3A_420 = arith.constant 0 : index
        %get3A_421 = tpu.vector_load %arg6[%get3A_419, %get3A_420] {strides = array<i32>} : memref<128x64xf32, #tpu.memory_space<vmem>>, vector<16xf32>,
        tpu.vector_store_idx %arg8[%add3A_418], %get3A_421 {add = true} : memref<81920xf32, #tpu.memory_space<vmem>>[vector<16xi32>], vector<16xf32>,
        %add3A_422 = arith.constant 16 : i32
        %add3A_423 = vector.broadcast %add3A_422 : i32 to vector<16xi32>
        %add3A_424 = arith.addi %iota3A, %add3A_423 : vector<16xi32>
        %add3A_425 = arith.addi %mul3A_414, %add3A_424 : vector<16xi32>
        %get3A_426 = arith.index_cast %add3A_403 : i32 to index
        %get3A_427 = arith.constant 16 : index
        %get3A_428 = tpu.vector_load %arg6[%get3A_426, %get3A_427] {strides = array<i32>} : memref<128x64xf32, #tpu.memory_space<vmem>>, vector<16xf32>,
        tpu.vector_store_idx %arg8[%add3A_425], %get3A_428 {add = true} : memref<81920xf32, #tpu.memory_space<vmem>>[vector<16xi32>], vector<16xf32>,
        %add3A_429 = arith.constant 32 : i32
        %add3A_430 = vector.broadcast %add3A_429 : i32 to vector<16xi32>
        %add3A_431 = arith.addi %iota3A, %add3A_430 : vector<16xi32>
        %add3A_432 = arith.addi %mul3A_414, %add3A_431 : vector<16xi32>
        %get3A_433 = arith.index_cast %add3A_403 : i32 to index
        %get3A_434 = arith.constant 32 : index
        %get3A_435 = tpu.vector_load %arg6[%get3A_433, %get3A_434] {strides = array<i32>} : memref<128x64xf32, #tpu.memory_space<vmem>>, vector<16xf32>,
        tpu.vector_store_idx %arg8[%add3A_432], %get3A_435 {add = true} : memref<81920xf32, #tpu.memory_space<vmem>>[vector<16xi32>], vector<16xf32>,
        %add3A_436 = arith.constant 48 : i32
        %add3A_437 = vector.broadcast %add3A_436 : i32 to vector<16xi32>
        %add3A_438 = arith.addi %iota3A, %add3A_437 : vector<16xi32>
        %add3A_439 = arith.addi %mul3A_414, %add3A_438 : vector<16xi32>
        %get3A_440 = arith.index_cast %add3A_403 : i32 to index
        %get3A_441 = arith.constant 48 : index
        %get3A_442 = tpu.vector_load %arg6[%get3A_440, %get3A_441] {strides = array<i32>} : memref<128x64xf32, #tpu.memory_space<vmem>>, vector<16xf32>,
        tpu.vector_store_idx %arg8[%add3A_439], %get3A_442 {add = true} : memref<81920xf32, #tpu.memory_space<vmem>>[vector<16xi32>], vector<16xf32>,
        %add3A_443 = arith.constant 64 : i32
        %add3A_444 = vector.broadcast %add3A_443 : i32 to vector<16xi32>
        %add3A_445 = arith.addi %iota3A, %add3A_444 : vector<16xi32>
        %add3A_446 = arith.addi %mul3A_414, %add3A_445 : vector<16xi32>
        tpu.vector_store_idx %arg8[%add3A_446], %broadcast_in_dim3A_3 {add = true} : memref<81920xf32, #tpu.memory_space<vmem>>[vector<16xi32>], vector<16xf32>,
        %mul3A_447 = arith.constant 16 : i32
        %mul3A_448 = arith.muli %add3A_25, %mul3A_447 : i32
        %add3A_449 = arith.constant 9 : i32
        %add3A_450 = arith.addi %mul3A_448, %add3A_449 : i32
        %broadcast_in_dim3A_451 = arith.constant 0 : i32
        %broadcast_in_dim3A_452 = vector.broadcast %broadcast_in_dim3A_451 : i32 to vector<16xi32>
        %mul3A_453 = arith.constant 128 : i32
        %mul3A_454 = arith.muli %add3A_12, %mul3A_453 : i32
        %add3A_455 = arith.addi %mul3A_454, %add3A_450 : i32
        %add3A_456 = vector.broadcast %add3A_455 : i32 to vector<16xi32>
        %add3A_457 = arith.addi %broadcast_in_dim3A_452, %add3A_456 : vector<16xi32>
        %gather3A_458 = tpu.vector_load_idx %arg7[%add3A_457] : memref<512xi32, #tpu.memory_space<vmem>>[vector<16xi32>], vector<16xi32>,
        %mul3A_459 = arith.constant 80 : i32
        %mul3A_460 = vector.broadcast %mul3A_459 : i32 to vector<16xi32>
        %mul3A_461 = arith.muli %gather3A_458, %mul3A_460 : vector<16xi32>
        %add3A_462 = arith.constant 0 : i32
        %add3A_463 = vector.broadcast %add3A_462 : i32 to vector<16xi32>
        %add3A_464 = arith.addi %iota3A, %add3A_463 : vector<16xi32>
        %add3A_465 = arith.addi %mul3A_461, %add3A_464 : vector<16xi32>
        %get3A_466 = arith.index_cast %add3A_450 : i32 to index
        %get3A_467 = arith.constant 0 : index
        %get3A_468 = tpu.vector_load %arg6[%get3A_466, %get3A_467] {strides = array<i32>} : memref<128x64xf32, #tpu.memory_space<vmem>>, vector<16xf32>,
        tpu.vector_store_idx %arg8[%add3A_465], %get3A_468 {add = true} : memref<81920xf32, #tpu.memory_space<vmem>>[vector<16xi32>], vector<16xf32>,
        %add3A_469 = arith.constant 16 : i32
        %add3A_470 = vector.broadcast %add3A_469 : i32 to vector<16xi32>
        %add3A_471 = arith.addi %iota3A, %add3A_470 : vector<16xi32>
        %add3A_472 = arith.addi %mul3A_461, %add3A_471 : vector<16xi32>
        %get3A_473 = arith.index_cast %add3A_450 : i32 to index
        %get3A_474 = arith.constant 16 : index
        %get3A_475 = tpu.vector_load %arg6[%get3A_473, %get3A_474] {strides = array<i32>} : memref<128x64xf32, #tpu.memory_space<vmem>>, vector<16xf32>,
        tpu.vector_store_idx %arg8[%add3A_472], %get3A_475 {add = true} : memref<81920xf32, #tpu.memory_space<vmem>>[vector<16xi32>], vector<16xf32>,
        %add3A_476 = arith.constant 32 : i32
        %add3A_477 = vector.broadcast %add3A_476 : i32 to vector<16xi32>
        %add3A_478 = arith.addi %iota3A, %add3A_477 : vector<16xi32>
        %add3A_479 = arith.addi %mul3A_461, %add3A_478 : vector<16xi32>
        %get3A_480 = arith.index_cast %add3A_450 : i32 to index
        %get3A_481 = arith.constant 32 : index
        %get3A_482 = tpu.vector_load %arg6[%get3A_480, %get3A_481] {strides = array<i32>} : memref<128x64xf32, #tpu.memory_space<vmem>>, vector<16xf32>,
        tpu.vector_store_idx %arg8[%add3A_479], %get3A_482 {add = true} : memref<81920xf32, #tpu.memory_space<vmem>>[vector<16xi32>], vector<16xf32>,
        %add3A_483 = arith.constant 48 : i32
        %add3A_484 = vector.broadcast %add3A_483 : i32 to vector<16xi32>
        %add3A_485 = arith.addi %iota3A, %add3A_484 : vector<16xi32>
        %add3A_486 = arith.addi %mul3A_461, %add3A_485 : vector<16xi32>
        %get3A_487 = arith.index_cast %add3A_450 : i32 to index
        %get3A_488 = arith.constant 48 : index
        %get3A_489 = tpu.vector_load %arg6[%get3A_487, %get3A_488] {strides = array<i32>} : memref<128x64xf32, #tpu.memory_space<vmem>>, vector<16xf32>,
        tpu.vector_store_idx %arg8[%add3A_486], %get3A_489 {add = true} : memref<81920xf32, #tpu.memory_space<vmem>>[vector<16xi32>], vector<16xf32>,
        %add3A_490 = arith.constant 64 : i32
        %add3A_491 = vector.broadcast %add3A_490 : i32 to vector<16xi32>
        %add3A_492 = arith.addi %iota3A, %add3A_491 : vector<16xi32>
        %add3A_493 = arith.addi %mul3A_461, %add3A_492 : vector<16xi32>
        tpu.vector_store_idx %arg8[%add3A_493], %broadcast_in_dim3A_3 {add = true} : memref<81920xf32, #tpu.memory_space<vmem>>[vector<16xi32>], vector<16xf32>,
        %mul3A_494 = arith.constant 16 : i32
        %mul3A_495 = arith.muli %add3A_25, %mul3A_494 : i32
        %add3A_496 = arith.constant 10 : i32
        %add3A_497 = arith.addi %mul3A_495, %add3A_496 : i32
        %broadcast_in_dim3A_498 = arith.constant 0 : i32
        %broadcast_in_dim3A_499 = vector.broadcast %broadcast_in_dim3A_498 : i32 to vector<16xi32>
        %mul3A_500 = arith.constant 128 : i32
        %mul3A_501 = arith.muli %add3A_12, %mul3A_500 : i32
        %add3A_502 = arith.addi %mul3A_501, %add3A_497 : i32
        %add3A_503 = vector.broadcast %add3A_502 : i32 to vector<16xi32>
        %add3A_504 = arith.addi %broadcast_in_dim3A_499, %add3A_503 : vector<16xi32>
        %gather3A_505 = tpu.vector_load_idx %arg7[%add3A_504] : memref<512xi32, #tpu.memory_space<vmem>>[vector<16xi32>], vector<16xi32>,
        %mul3A_506 = arith.constant 80 : i32
        %mul3A_507 = vector.broadcast %mul3A_506 : i32 to vector<16xi32>
        %mul3A_508 = arith.muli %gather3A_505, %mul3A_507 : vector<16xi32>
        %add3A_509 = arith.constant 0 : i32
        %add3A_510 = vector.broadcast %add3A_509 : i32 to vector<16xi32>
        %add3A_511 = arith.addi %iota3A, %add3A_510 : vector<16xi32>
        %add3A_512 = arith.addi %mul3A_508, %add3A_511 : vector<16xi32>
        %get3A_513 = arith.index_cast %add3A_497 : i32 to index
        %get3A_514 = arith.constant 0 : index
        %get3A_515 = tpu.vector_load %arg6[%get3A_513, %get3A_514] {strides = array<i32>} : memref<128x64xf32, #tpu.memory_space<vmem>>, vector<16xf32>,
        tpu.vector_store_idx %arg8[%add3A_512], %get3A_515 {add = true} : memref<81920xf32, #tpu.memory_space<vmem>>[vector<16xi32>], vector<16xf32>,
        %add3A_516 = arith.constant 16 : i32
        %add3A_517 = vector.broadcast %add3A_516 : i32 to vector<16xi32>
        %add3A_518 = arith.addi %iota3A, %add3A_517 : vector<16xi32>
        %add3A_519 = arith.addi %mul3A_508, %add3A_518 : vector<16xi32>
        %get3A_520 = arith.index_cast %add3A_497 : i32 to index
        %get3A_521 = arith.constant 16 : index
        %get3A_522 = tpu.vector_load %arg6[%get3A_520, %get3A_521] {strides = array<i32>} : memref<128x64xf32, #tpu.memory_space<vmem>>, vector<16xf32>,
        tpu.vector_store_idx %arg8[%add3A_519], %get3A_522 {add = true} : memref<81920xf32, #tpu.memory_space<vmem>>[vector<16xi32>], vector<16xf32>,
        %add3A_523 = arith.constant 32 : i32
        %add3A_524 = vector.broadcast %add3A_523 : i32 to vector<16xi32>
        %add3A_525 = arith.addi %iota3A, %add3A_524 : vector<16xi32>
        %add3A_526 = arith.addi %mul3A_508, %add3A_525 : vector<16xi32>
        %get3A_527 = arith.index_cast %add3A_497 : i32 to index
        %get3A_528 = arith.constant 32 : index
        %get3A_529 = tpu.vector_load %arg6[%get3A_527, %get3A_528] {strides = array<i32>} : memref<128x64xf32, #tpu.memory_space<vmem>>, vector<16xf32>,
        tpu.vector_store_idx %arg8[%add3A_526], %get3A_529 {add = true} : memref<81920xf32, #tpu.memory_space<vmem>>[vector<16xi32>], vector<16xf32>,
        %add3A_530 = arith.constant 48 : i32
        %add3A_531 = vector.broadcast %add3A_530 : i32 to vector<16xi32>
        %add3A_532 = arith.addi %iota3A, %add3A_531 : vector<16xi32>
        %add3A_533 = arith.addi %mul3A_508, %add3A_532 : vector<16xi32>
        %get3A_534 = arith.index_cast %add3A_497 : i32 to index
        %get3A_535 = arith.constant 48 : index
        %get3A_536 = tpu.vector_load %arg6[%get3A_534, %get3A_535] {strides = array<i32>} : memref<128x64xf32, #tpu.memory_space<vmem>>, vector<16xf32>,
        tpu.vector_store_idx %arg8[%add3A_533], %get3A_536 {add = true} : memref<81920xf32, #tpu.memory_space<vmem>>[vector<16xi32>], vector<16xf32>,
        %add3A_537 = arith.constant 64 : i32
        %add3A_538 = vector.broadcast %add3A_537 : i32 to vector<16xi32>
        %add3A_539 = arith.addi %iota3A, %add3A_538 : vector<16xi32>
        %add3A_540 = arith.addi %mul3A_508, %add3A_539 : vector<16xi32>
        tpu.vector_store_idx %arg8[%add3A_540], %broadcast_in_dim3A_3 {add = true} : memref<81920xf32, #tpu.memory_space<vmem>>[vector<16xi32>], vector<16xf32>,
        %mul3A_541 = arith.constant 16 : i32
        %mul3A_542 = arith.muli %add3A_25, %mul3A_541 : i32
        %add3A_543 = arith.constant 11 : i32
        %add3A_544 = arith.addi %mul3A_542, %add3A_543 : i32
        %broadcast_in_dim3A_545 = arith.constant 0 : i32
        %broadcast_in_dim3A_546 = vector.broadcast %broadcast_in_dim3A_545 : i32 to vector<16xi32>
        %mul3A_547 = arith.constant 128 : i32
        %mul3A_548 = arith.muli %add3A_12, %mul3A_547 : i32
        %add3A_549 = arith.addi %mul3A_548, %add3A_544 : i32
        %add3A_550 = vector.broadcast %add3A_549 : i32 to vector<16xi32>
        %add3A_551 = arith.addi %broadcast_in_dim3A_546, %add3A_550 : vector<16xi32>
        %gather3A_552 = tpu.vector_load_idx %arg7[%add3A_551] : memref<512xi32, #tpu.memory_space<vmem>>[vector<16xi32>], vector<16xi32>,
        %mul3A_553 = arith.constant 80 : i32
        %mul3A_554 = vector.broadcast %mul3A_553 : i32 to vector<16xi32>
        %mul3A_555 = arith.muli %gather3A_552, %mul3A_554 : vector<16xi32>
        %add3A_556 = arith.constant 0 : i32
        %add3A_557 = vector.broadcast %add3A_556 : i32 to vector<16xi32>
        %add3A_558 = arith.addi %iota3A, %add3A_557 : vector<16xi32>
        %add3A_559 = arith.addi %mul3A_555, %add3A_558 : vector<16xi32>
        %get3A_560 = arith.index_cast %add3A_544 : i32 to index
        %get3A_561 = arith.constant 0 : index
        %get3A_562 = tpu.vector_load %arg6[%get3A_560, %get3A_561] {strides = array<i32>} : memref<128x64xf32, #tpu.memory_space<vmem>>, vector<16xf32>,
        tpu.vector_store_idx %arg8[%add3A_559], %get3A_562 {add = true} : memref<81920xf32, #tpu.memory_space<vmem>>[vector<16xi32>], vector<16xf32>,
        %add3A_563 = arith.constant 16 : i32
        %add3A_564 = vector.broadcast %add3A_563 : i32 to vector<16xi32>
        %add3A_565 = arith.addi %iota3A, %add3A_564 : vector<16xi32>
        %add3A_566 = arith.addi %mul3A_555, %add3A_565 : vector<16xi32>
        %get3A_567 = arith.index_cast %add3A_544 : i32 to index
        %get3A_568 = arith.constant 16 : index
        %get3A_569 = tpu.vector_load %arg6[%get3A_567, %get3A_568] {strides = array<i32>} : memref<128x64xf32, #tpu.memory_space<vmem>>, vector<16xf32>,
        tpu.vector_store_idx %arg8[%add3A_566], %get3A_569 {add = true} : memref<81920xf32, #tpu.memory_space<vmem>>[vector<16xi32>], vector<16xf32>,
        %add3A_570 = arith.constant 32 : i32
        %add3A_571 = vector.broadcast %add3A_570 : i32 to vector<16xi32>
        %add3A_572 = arith.addi %iota3A, %add3A_571 : vector<16xi32>
        %add3A_573 = arith.addi %mul3A_555, %add3A_572 : vector<16xi32>
        %get3A_574 = arith.index_cast %add3A_544 : i32 to index
        %get3A_575 = arith.constant 32 : index
        %get3A_576 = tpu.vector_load %arg6[%get3A_574, %get3A_575] {strides = array<i32>} : memref<128x64xf32, #tpu.memory_space<vmem>>, vector<16xf32>,
        tpu.vector_store_idx %arg8[%add3A_573], %get3A_576 {add = true} : memref<81920xf32, #tpu.memory_space<vmem>>[vector<16xi32>], vector<16xf32>,
        %add3A_577 = arith.constant 48 : i32
        %add3A_578 = vector.broadcast %add3A_577 : i32 to vector<16xi32>
        %add3A_579 = arith.addi %iota3A, %add3A_578 : vector<16xi32>
        %add3A_580 = arith.addi %mul3A_555, %add3A_579 : vector<16xi32>
        %get3A_581 = arith.index_cast %add3A_544 : i32 to index
        %get3A_582 = arith.constant 48 : index
        %get3A_583 = tpu.vector_load %arg6[%get3A_581, %get3A_582] {strides = array<i32>} : memref<128x64xf32, #tpu.memory_space<vmem>>, vector<16xf32>,
        tpu.vector_store_idx %arg8[%add3A_580], %get3A_583 {add = true} : memref<81920xf32, #tpu.memory_space<vmem>>[vector<16xi32>], vector<16xf32>,
        %add3A_584 = arith.constant 64 : i32
        %add3A_585 = vector.broadcast %add3A_584 : i32 to vector<16xi32>
        %add3A_586 = arith.addi %iota3A, %add3A_585 : vector<16xi32>
        %add3A_587 = arith.addi %mul3A_555, %add3A_586 : vector<16xi32>
        tpu.vector_store_idx %arg8[%add3A_587], %broadcast_in_dim3A_3 {add = true} : memref<81920xf32, #tpu.memory_space<vmem>>[vector<16xi32>], vector<16xf32>,
        %mul3A_588 = arith.constant 16 : i32
        %mul3A_589 = arith.muli %add3A_25, %mul3A_588 : i32
        %add3A_590 = arith.constant 12 : i32
        %add3A_591 = arith.addi %mul3A_589, %add3A_590 : i32
        %broadcast_in_dim3A_592 = arith.constant 0 : i32
        %broadcast_in_dim3A_593 = vector.broadcast %broadcast_in_dim3A_592 : i32 to vector<16xi32>
        %mul3A_594 = arith.constant 128 : i32
        %mul3A_595 = arith.muli %add3A_12, %mul3A_594 : i32
        %add3A_596 = arith.addi %mul3A_595, %add3A_591 : i32
        %add3A_597 = vector.broadcast %add3A_596 : i32 to vector<16xi32>
        %add3A_598 = arith.addi %broadcast_in_dim3A_593, %add3A_597 : vector<16xi32>
        %gather3A_599 = tpu.vector_load_idx %arg7[%add3A_598] : memref<512xi32, #tpu.memory_space<vmem>>[vector<16xi32>], vector<16xi32>,
        %mul3A_600 = arith.constant 80 : i32
        %mul3A_601 = vector.broadcast %mul3A_600 : i32 to vector<16xi32>
        %mul3A_602 = arith.muli %gather3A_599, %mul3A_601 : vector<16xi32>
        %add3A_603 = arith.constant 0 : i32
        %add3A_604 = vector.broadcast %add3A_603 : i32 to vector<16xi32>
        %add3A_605 = arith.addi %iota3A, %add3A_604 : vector<16xi32>
        %add3A_606 = arith.addi %mul3A_602, %add3A_605 : vector<16xi32>
        %get3A_607 = arith.index_cast %add3A_591 : i32 to index
        %get3A_608 = arith.constant 0 : index
        %get3A_609 = tpu.vector_load %arg6[%get3A_607, %get3A_608] {strides = array<i32>} : memref<128x64xf32, #tpu.memory_space<vmem>>, vector<16xf32>,
        tpu.vector_store_idx %arg8[%add3A_606], %get3A_609 {add = true} : memref<81920xf32, #tpu.memory_space<vmem>>[vector<16xi32>], vector<16xf32>,
        %add3A_610 = arith.constant 16 : i32
        %add3A_611 = vector.broadcast %add3A_610 : i32 to vector<16xi32>
        %add3A_612 = arith.addi %iota3A, %add3A_611 : vector<16xi32>
        %add3A_613 = arith.addi %mul3A_602, %add3A_612 : vector<16xi32>
        %get3A_614 = arith.index_cast %add3A_591 : i32 to index
        %get3A_615 = arith.constant 16 : index
        %get3A_616 = tpu.vector_load %arg6[%get3A_614, %get3A_615] {strides = array<i32>} : memref<128x64xf32, #tpu.memory_space<vmem>>, vector<16xf32>,
        tpu.vector_store_idx %arg8[%add3A_613], %get3A_616 {add = true} : memref<81920xf32, #tpu.memory_space<vmem>>[vector<16xi32>], vector<16xf32>,
        %add3A_617 = arith.constant 32 : i32
        %add3A_618 = vector.broadcast %add3A_617 : i32 to vector<16xi32>
        %add3A_619 = arith.addi %iota3A, %add3A_618 : vector<16xi32>
        %add3A_620 = arith.addi %mul3A_602, %add3A_619 : vector<16xi32>
        %get3A_621 = arith.index_cast %add3A_591 : i32 to index
        %get3A_622 = arith.constant 32 : index
        %get3A_623 = tpu.vector_load %arg6[%get3A_621, %get3A_622] {strides = array<i32>} : memref<128x64xf32, #tpu.memory_space<vmem>>, vector<16xf32>,
        tpu.vector_store_idx %arg8[%add3A_620], %get3A_623 {add = true} : memref<81920xf32, #tpu.memory_space<vmem>>[vector<16xi32>], vector<16xf32>,
        %add3A_624 = arith.constant 48 : i32
        %add3A_625 = vector.broadcast %add3A_624 : i32 to vector<16xi32>
        %add3A_626 = arith.addi %iota3A, %add3A_625 : vector<16xi32>
        %add3A_627 = arith.addi %mul3A_602, %add3A_626 : vector<16xi32>
        %get3A_628 = arith.index_cast %add3A_591 : i32 to index
        %get3A_629 = arith.constant 48 : index
        %get3A_630 = tpu.vector_load %arg6[%get3A_628, %get3A_629] {strides = array<i32>} : memref<128x64xf32, #tpu.memory_space<vmem>>, vector<16xf32>,
        tpu.vector_store_idx %arg8[%add3A_627], %get3A_630 {add = true} : memref<81920xf32, #tpu.memory_space<vmem>>[vector<16xi32>], vector<16xf32>,
        %add3A_631 = arith.constant 64 : i32
        %add3A_632 = vector.broadcast %add3A_631 : i32 to vector<16xi32>
        %add3A_633 = arith.addi %iota3A, %add3A_632 : vector<16xi32>
        %add3A_634 = arith.addi %mul3A_602, %add3A_633 : vector<16xi32>
        tpu.vector_store_idx %arg8[%add3A_634], %broadcast_in_dim3A_3 {add = true} : memref<81920xf32, #tpu.memory_space<vmem>>[vector<16xi32>], vector<16xf32>,
        %mul3A_635 = arith.constant 16 : i32
        %mul3A_636 = arith.muli %add3A_25, %mul3A_635 : i32
        %add3A_637 = arith.constant 13 : i32
        %add3A_638 = arith.addi %mul3A_636, %add3A_637 : i32
        %broadcast_in_dim3A_639 = arith.constant 0 : i32
        %broadcast_in_dim3A_640 = vector.broadcast %broadcast_in_dim3A_639 : i32 to vector<16xi32>
        %mul3A_641 = arith.constant 128 : i32
        %mul3A_642 = arith.muli %add3A_12, %mul3A_641 : i32
        %add3A_643 = arith.addi %mul3A_642, %add3A_638 : i32
        %add3A_644 = vector.broadcast %add3A_643 : i32 to vector<16xi32>
        %add3A_645 = arith.addi %broadcast_in_dim3A_640, %add3A_644 : vector<16xi32>
        %gather3A_646 = tpu.vector_load_idx %arg7[%add3A_645] : memref<512xi32, #tpu.memory_space<vmem>>[vector<16xi32>], vector<16xi32>,
        %mul3A_647 = arith.constant 80 : i32
        %mul3A_648 = vector.broadcast %mul3A_647 : i32 to vector<16xi32>
        %mul3A_649 = arith.muli %gather3A_646, %mul3A_648 : vector<16xi32>
        %add3A_650 = arith.constant 0 : i32
        %add3A_651 = vector.broadcast %add3A_650 : i32 to vector<16xi32>
        %add3A_652 = arith.addi %iota3A, %add3A_651 : vector<16xi32>
        %add3A_653 = arith.addi %mul3A_649, %add3A_652 : vector<16xi32>
        %get3A_654 = arith.index_cast %add3A_638 : i32 to index
        %get3A_655 = arith.constant 0 : index
        %get3A_656 = tpu.vector_load %arg6[%get3A_654, %get3A_655] {strides = array<i32>} : memref<128x64xf32, #tpu.memory_space<vmem>>, vector<16xf32>,
        tpu.vector_store_idx %arg8[%add3A_653], %get3A_656 {add = true} : memref<81920xf32, #tpu.memory_space<vmem>>[vector<16xi32>], vector<16xf32>,
        %add3A_657 = arith.constant 16 : i32
        %add3A_658 = vector.broadcast %add3A_657 : i32 to vector<16xi32>
        %add3A_659 = arith.addi %iota3A, %add3A_658 : vector<16xi32>
        %add3A_660 = arith.addi %mul3A_649, %add3A_659 : vector<16xi32>
        %get3A_661 = arith.index_cast %add3A_638 : i32 to index
        %get3A_662 = arith.constant 16 : index
        %get3A_663 = tpu.vector_load %arg6[%get3A_661, %get3A_662] {strides = array<i32>} : memref<128x64xf32, #tpu.memory_space<vmem>>, vector<16xf32>,
        tpu.vector_store_idx %arg8[%add3A_660], %get3A_663 {add = true} : memref<81920xf32, #tpu.memory_space<vmem>>[vector<16xi32>], vector<16xf32>,
        %add3A_664 = arith.constant 32 : i32
        %add3A_665 = vector.broadcast %add3A_664 : i32 to vector<16xi32>
        %add3A_666 = arith.addi %iota3A, %add3A_665 : vector<16xi32>
        %add3A_667 = arith.addi %mul3A_649, %add3A_666 : vector<16xi32>
        %get3A_668 = arith.index_cast %add3A_638 : i32 to index
        %get3A_669 = arith.constant 32 : index
        %get3A_670 = tpu.vector_load %arg6[%get3A_668, %get3A_669] {strides = array<i32>} : memref<128x64xf32, #tpu.memory_space<vmem>>, vector<16xf32>,
        tpu.vector_store_idx %arg8[%add3A_667], %get3A_670 {add = true} : memref<81920xf32, #tpu.memory_space<vmem>>[vector<16xi32>], vector<16xf32>,
        %add3A_671 = arith.constant 48 : i32
        %add3A_672 = vector.broadcast %add3A_671 : i32 to vector<16xi32>
        %add3A_673 = arith.addi %iota3A, %add3A_672 : vector<16xi32>
        %add3A_674 = arith.addi %mul3A_649, %add3A_673 : vector<16xi32>
        %get3A_675 = arith.index_cast %add3A_638 : i32 to index
        %get3A_676 = arith.constant 48 : index
        %get3A_677 = tpu.vector_load %arg6[%get3A_675, %get3A_676] {strides = array<i32>} : memref<128x64xf32, #tpu.memory_space<vmem>>, vector<16xf32>,
        tpu.vector_store_idx %arg8[%add3A_674], %get3A_677 {add = true} : memref<81920xf32, #tpu.memory_space<vmem>>[vector<16xi32>], vector<16xf32>,
        %add3A_678 = arith.constant 64 : i32
        %add3A_679 = vector.broadcast %add3A_678 : i32 to vector<16xi32>
        %add3A_680 = arith.addi %iota3A, %add3A_679 : vector<16xi32>
        %add3A_681 = arith.addi %mul3A_649, %add3A_680 : vector<16xi32>
        tpu.vector_store_idx %arg8[%add3A_681], %broadcast_in_dim3A_3 {add = true} : memref<81920xf32, #tpu.memory_space<vmem>>[vector<16xi32>], vector<16xf32>,
        %mul3A_682 = arith.constant 16 : i32
        %mul3A_683 = arith.muli %add3A_25, %mul3A_682 : i32
        %add3A_684 = arith.constant 14 : i32
        %add3A_685 = arith.addi %mul3A_683, %add3A_684 : i32
        %broadcast_in_dim3A_686 = arith.constant 0 : i32
        %broadcast_in_dim3A_687 = vector.broadcast %broadcast_in_dim3A_686 : i32 to vector<16xi32>
        %mul3A_688 = arith.constant 128 : i32
        %mul3A_689 = arith.muli %add3A_12, %mul3A_688 : i32
        %add3A_690 = arith.addi %mul3A_689, %add3A_685 : i32
        %add3A_691 = vector.broadcast %add3A_690 : i32 to vector<16xi32>
        %add3A_692 = arith.addi %broadcast_in_dim3A_687, %add3A_691 : vector<16xi32>
        %gather3A_693 = tpu.vector_load_idx %arg7[%add3A_692] : memref<512xi32, #tpu.memory_space<vmem>>[vector<16xi32>], vector<16xi32>,
        %mul3A_694 = arith.constant 80 : i32
        %mul3A_695 = vector.broadcast %mul3A_694 : i32 to vector<16xi32>
        %mul3A_696 = arith.muli %gather3A_693, %mul3A_695 : vector<16xi32>
        %add3A_697 = arith.constant 0 : i32
        %add3A_698 = vector.broadcast %add3A_697 : i32 to vector<16xi32>
        %add3A_699 = arith.addi %iota3A, %add3A_698 : vector<16xi32>
        %add3A_700 = arith.addi %mul3A_696, %add3A_699 : vector<16xi32>
        %get3A_701 = arith.index_cast %add3A_685 : i32 to index
        %get3A_702 = arith.constant 0 : index
        %get3A_703 = tpu.vector_load %arg6[%get3A_701, %get3A_702] {strides = array<i32>} : memref<128x64xf32, #tpu.memory_space<vmem>>, vector<16xf32>,
        tpu.vector_store_idx %arg8[%add3A_700], %get3A_703 {add = true} : memref<81920xf32, #tpu.memory_space<vmem>>[vector<16xi32>], vector<16xf32>,
        %add3A_704 = arith.constant 16 : i32
        %add3A_705 = vector.broadcast %add3A_704 : i32 to vector<16xi32>
        %add3A_706 = arith.addi %iota3A, %add3A_705 : vector<16xi32>
        %add3A_707 = arith.addi %mul3A_696, %add3A_706 : vector<16xi32>
        %get3A_708 = arith.index_cast %add3A_685 : i32 to index
        %get3A_709 = arith.constant 16 : index
        %get3A_710 = tpu.vector_load %arg6[%get3A_708, %get3A_709] {strides = array<i32>} : memref<128x64xf32, #tpu.memory_space<vmem>>, vector<16xf32>,
        tpu.vector_store_idx %arg8[%add3A_707], %get3A_710 {add = true} : memref<81920xf32, #tpu.memory_space<vmem>>[vector<16xi32>], vector<16xf32>,
        %add3A_711 = arith.constant 32 : i32
        %add3A_712 = vector.broadcast %add3A_711 : i32 to vector<16xi32>
        %add3A_713 = arith.addi %iota3A, %add3A_712 : vector<16xi32>
        %add3A_714 = arith.addi %mul3A_696, %add3A_713 : vector<16xi32>
        %get3A_715 = arith.index_cast %add3A_685 : i32 to index
        %get3A_716 = arith.constant 32 : index
        %get3A_717 = tpu.vector_load %arg6[%get3A_715, %get3A_716] {strides = array<i32>} : memref<128x64xf32, #tpu.memory_space<vmem>>, vector<16xf32>,
        tpu.vector_store_idx %arg8[%add3A_714], %get3A_717 {add = true} : memref<81920xf32, #tpu.memory_space<vmem>>[vector<16xi32>], vector<16xf32>,
        %add3A_718 = arith.constant 48 : i32
        %add3A_719 = vector.broadcast %add3A_718 : i32 to vector<16xi32>
        %add3A_720 = arith.addi %iota3A, %add3A_719 : vector<16xi32>
        %add3A_721 = arith.addi %mul3A_696, %add3A_720 : vector<16xi32>
        %get3A_722 = arith.index_cast %add3A_685 : i32 to index
        %get3A_723 = arith.constant 48 : index
        %get3A_724 = tpu.vector_load %arg6[%get3A_722, %get3A_723] {strides = array<i32>} : memref<128x64xf32, #tpu.memory_space<vmem>>, vector<16xf32>,
        tpu.vector_store_idx %arg8[%add3A_721], %get3A_724 {add = true} : memref<81920xf32, #tpu.memory_space<vmem>>[vector<16xi32>], vector<16xf32>,
        %add3A_725 = arith.constant 64 : i32
        %add3A_726 = vector.broadcast %add3A_725 : i32 to vector<16xi32>
        %add3A_727 = arith.addi %iota3A, %add3A_726 : vector<16xi32>
        %add3A_728 = arith.addi %mul3A_696, %add3A_727 : vector<16xi32>
        tpu.vector_store_idx %arg8[%add3A_728], %broadcast_in_dim3A_3 {add = true} : memref<81920xf32, #tpu.memory_space<vmem>>[vector<16xi32>], vector<16xf32>,
        %mul3A_729 = arith.constant 16 : i32
        %mul3A_730 = arith.muli %add3A_25, %mul3A_729 : i32
        %add3A_731 = arith.constant 15 : i32
        %add3A_732 = arith.addi %mul3A_730, %add3A_731 : i32
        %broadcast_in_dim3A_733 = arith.constant 0 : i32
        %broadcast_in_dim3A_734 = vector.broadcast %broadcast_in_dim3A_733 : i32 to vector<16xi32>
        %mul3A_735 = arith.constant 128 : i32
        %mul3A_736 = arith.muli %add3A_12, %mul3A_735 : i32
        %add3A_737 = arith.addi %mul3A_736, %add3A_732 : i32
        %add3A_738 = vector.broadcast %add3A_737 : i32 to vector<16xi32>
        %add3A_739 = arith.addi %broadcast_in_dim3A_734, %add3A_738 : vector<16xi32>
        %gather3A_740 = tpu.vector_load_idx %arg7[%add3A_739] : memref<512xi32, #tpu.memory_space<vmem>>[vector<16xi32>], vector<16xi32>,
        %mul3A_741 = arith.constant 80 : i32
        %mul3A_742 = vector.broadcast %mul3A_741 : i32 to vector<16xi32>
        %mul3A_743 = arith.muli %gather3A_740, %mul3A_742 : vector<16xi32>
        %add3A_744 = arith.constant 0 : i32
        %add3A_745 = vector.broadcast %add3A_744 : i32 to vector<16xi32>
        %add3A_746 = arith.addi %iota3A, %add3A_745 : vector<16xi32>
        %add3A_747 = arith.addi %mul3A_743, %add3A_746 : vector<16xi32>
        %get3A_748 = arith.index_cast %add3A_732 : i32 to index
        %get3A_749 = arith.constant 0 : index
        %get3A_750 = tpu.vector_load %arg6[%get3A_748, %get3A_749] {strides = array<i32>} : memref<128x64xf32, #tpu.memory_space<vmem>>, vector<16xf32>,
        tpu.vector_store_idx %arg8[%add3A_747], %get3A_750 {add = true} : memref<81920xf32, #tpu.memory_space<vmem>>[vector<16xi32>], vector<16xf32>,
        %add3A_751 = arith.constant 16 : i32
        %add3A_752 = vector.broadcast %add3A_751 : i32 to vector<16xi32>
        %add3A_753 = arith.addi %iota3A, %add3A_752 : vector<16xi32>
        %add3A_754 = arith.addi %mul3A_743, %add3A_753 : vector<16xi32>
        %get3A_755 = arith.index_cast %add3A_732 : i32 to index
        %get3A_756 = arith.constant 16 : index
        %get3A_757 = tpu.vector_load %arg6[%get3A_755, %get3A_756] {strides = array<i32>} : memref<128x64xf32, #tpu.memory_space<vmem>>, vector<16xf32>,
        tpu.vector_store_idx %arg8[%add3A_754], %get3A_757 {add = true} : memref<81920xf32, #tpu.memory_space<vmem>>[vector<16xi32>], vector<16xf32>,
        %add3A_758 = arith.constant 32 : i32
        %add3A_759 = vector.broadcast %add3A_758 : i32 to vector<16xi32>
        %add3A_760 = arith.addi %iota3A, %add3A_759 : vector<16xi32>
        %add3A_761 = arith.addi %mul3A_743, %add3A_760 : vector<16xi32>
        %get3A_762 = arith.index_cast %add3A_732 : i32 to index
        %get3A_763 = arith.constant 32 : index
        %get3A_764 = tpu.vector_load %arg6[%get3A_762, %get3A_763] {strides = array<i32>} : memref<128x64xf32, #tpu.memory_space<vmem>>, vector<16xf32>,
        tpu.vector_store_idx %arg8[%add3A_761], %get3A_764 {add = true} : memref<81920xf32, #tpu.memory_space<vmem>>[vector<16xi32>], vector<16xf32>,
        %add3A_765 = arith.constant 48 : i32
        %add3A_766 = vector.broadcast %add3A_765 : i32 to vector<16xi32>
        %add3A_767 = arith.addi %iota3A, %add3A_766 : vector<16xi32>
        %add3A_768 = arith.addi %mul3A_743, %add3A_767 : vector<16xi32>
        %get3A_769 = arith.index_cast %add3A_732 : i32 to index
        %get3A_770 = arith.constant 48 : index
        %get3A_771 = tpu.vector_load %arg6[%get3A_769, %get3A_770] {strides = array<i32>} : memref<128x64xf32, #tpu.memory_space<vmem>>, vector<16xf32>,
        tpu.vector_store_idx %arg8[%add3A_768], %get3A_771 {add = true} : memref<81920xf32, #tpu.memory_space<vmem>>[vector<16xi32>], vector<16xf32>,
        %add3A_772 = arith.constant 64 : i32
        %add3A_773 = vector.broadcast %add3A_772 : i32 to vector<16xi32>
        %add3A_774 = arith.addi %iota3A, %add3A_773 : vector<16xi32>
        %add3A_775 = arith.addi %mul3A_743, %add3A_774 : vector<16xi32>
        tpu.vector_store_idx %arg8[%add3A_775], %broadcast_in_dim3A_3 {add = true} : memref<81920xf32, #tpu.memory_space<vmem>>[vector<16xi32>], vector<16xf32>,
      }
      %scan3A_20 = arith.constant 8 : i32
    }
    %scan3A_7 = arith.constant 4 : i32
    "tpu.region"() ({
      %run_scoped3A = tpu.sem_alloc : memref<!tpu.dma_semaphore, #tpu.memory_space<semaphore_mem>>
      %dma_start3A = arith.constant 0 : i32
      %dma_start3A_8 = tpu.memref_slice %arg5[%add3A, %dma_start3A] : memref<32x81920xf32, #tpu.memory_space<hbm>> -> memref<1x81920xf32, #tpu.memory_space<hbm>>
      %dma_start3A_9 = tpu.memref_squeeze %dma_start3A_8 : memref<1x81920xf32, #tpu.memory_space<hbm>> -> memref<81920xf32, #tpu.memory_space<hbm>>
      %dma_start3A_10 = arith.constant 0 : i32
      %dma_start3A_11 = tpu.memref_slice %arg5[%add3A, %dma_start3A_10] : memref<32x81920xf32, #tpu.memory_space<hbm>> -> memref<1x81920xf32, #tpu.memory_space<hbm>>
      %dma_start3A_12 = tpu.memref_squeeze %dma_start3A_11 : memref<1x81920xf32, #tpu.memory_space<hbm>> -> memref<81920xf32, #tpu.memory_space<hbm>>
      tpu.enqueue_dma source(%arg8 : memref<81920xf32, #tpu.memory_space<vmem>>) target(%dma_start3A_12 : memref<81920xf32, #tpu.memory_space<hbm>>) target_semaphore(%run_scoped3A : memref<!tpu.dma_semaphore, #tpu.memory_space<semaphore_mem>>)
      %dma_wait3A = arith.constant 0 : i32
      %dma_wait3A_13 = tpu.memref_slice %arg5[%add3A, %dma_wait3A] : memref<32x81920xf32, #tpu.memory_space<hbm>> -> memref<1x81920xf32, #tpu.memory_space<hbm>>
      %dma_wait3A_14 = tpu.memref_squeeze %dma_wait3A_13 : memref<1x81920xf32, #tpu.memory_space<hbm>> -> memref<81920xf32, #tpu.memory_space<hbm>>
      %dma_wait3A_15 = arith.constant 0 : i32
      %dma_wait3A_16 = tpu.memref_slice %arg5[%add3A, %dma_wait3A_15] : memref<32x81920xf32, #tpu.memory_space<hbm>> -> memref<1x81920xf32, #tpu.memory_space<hbm>>
      %dma_wait3A_17 = tpu.memref_squeeze %dma_wait3A_16 : memref<1x81920xf32, #tpu.memory_space<hbm>> -> memref<81920xf32, #tpu.memory_space<hbm>>
      tpu.wait_dma2 semaphore(%run_scoped3A : memref<!tpu.dma_semaphore, #tpu.memory_space<semaphore_mem>>) src(%arg8 : memref<81920xf32, #tpu.memory_space<vmem>>) dst(%dma_wait3A_17 : memref<81920xf32, #tpu.memory_space<hbm>>)
      tpu.yield
    }) : () -> ()
    return
  }
}

module attributes {stable_mosaic.version = 14 : i64} {
  func.func @_tc_body(%arg0: i32, %arg1: memref<1x1024x80xf32, #tpu.memory_space<vmem>>, %arg2: memref<1000x64xf32, #tpu.memory_space<vmem>>, %arg3: memref<1x1xf32, #tpu.memory_space<vmem>>, %arg4: memref<1000x64xf32, #tpu.memory_space<vmem>>, %arg5: memref<1024x80xf32, #tpu.memory_space<vmem>>) attributes {dimension_semantics = [#tpu.dimension_semantics<arbitrary>], iteration_bounds = array<i64: 32>, scalar_prefetch = 0 : i64, scratch_operands = 1 : i64, tpu.core_type = #tpu.core_type<tc>, window_params = [{transform_indices = @transform_0, window_bounds = array<i64: 1, 1024, 80>}, {pipeline_mode = #tpu.pipeline_mode<synchronous>, transform_indices = @transform_1, window_bounds = array<i64: 1000, 64>}, {pipeline_mode = #tpu.pipeline_mode<synchronous>, transform_indices = @transform_2, window_bounds = array<i64: 1, 1>}, {pipeline_mode = #tpu.pipeline_mode<synchronous>, transform_indices = @transform_3, window_bounds = array<i64: 1000, 64>}]} {
    %eq3A = arith.constant 0 : i32
    %eq3A_0 = arith.cmpi eq, %arg0, %eq3A : i32
    %convert_element_type3A = arith.extui %eq3A_0 : i1 to i32
    %cond3A = arith.constant 0 : i32
    %cond3A_1 = arith.cmpi ne, %convert_element_type3A, %cond3A : i32
    scf.if %cond3A_1 {
      %broadcast_in_dim3A = arith.constant 0.000000e+00 : f32
      %broadcast_in_dim3A_16 = vector.broadcast %broadcast_in_dim3A : f32 to vector<1024x80xf32>
      %swap3A_17 = arith.constant 0 : index
      %swap3A_18 = arith.constant 0 : index
      %swap3A_19 = vector.load %arg5[%swap3A_17, %swap3A_18] : memref<1024x80xf32, #tpu.memory_space<vmem>>, vector<1024x80xf32>
      tpu.vector_store %arg5[%swap3A_17, %swap3A_18], %broadcast_in_dim3A_16 {strides = array<i32>} : memref<1024x80xf32, #tpu.memory_space<vmem>>, vector<1024x80xf32>,
    } else {
    }
    %get3A = arith.constant 0 : index
    %get3A_2 = arith.constant 0 : index
    %get3A_3 = vector.load %arg5[%get3A, %get3A_2] : memref<1024x80xf32, #tpu.memory_space<vmem>>, vector<1024x80xf32>
    %get3A_4 = arith.constant 0 : index
    %get3A_5 = arith.constant 0 : index
    %get3A_6 = arith.constant 0 : index
    %get3A_7 = vector.load %arg1[%get3A_4, %get3A_5, %get3A_6] : memref<1x1024x80xf32, #tpu.memory_space<vmem>>, vector<1x1024x80xf32>
    %get3A_8 = vector.shape_cast %get3A_7 : vector<1x1024x80xf32> to vector<1024x80xf32>
    %add3A = arith.addf %get3A_3, %get3A_8 : vector<1024x80xf32>
    %swap3A = arith.constant 0 : index
    %swap3A_9 = arith.constant 0 : index
    %swap3A_10 = vector.load %arg5[%swap3A, %swap3A_9] : memref<1024x80xf32, #tpu.memory_space<vmem>>, vector<1024x80xf32>
    tpu.vector_store %arg5[%swap3A, %swap3A_9], %add3A {strides = array<i32>} : memref<1024x80xf32, #tpu.memory_space<vmem>>, vector<1024x80xf32>,
    %eq3A_11 = arith.constant 31 : i32
    %eq3A_12 = arith.cmpi eq, %arg0, %eq3A_11 : i32
    %convert_element_type3A_13 = arith.extui %eq3A_12 : i1 to i32
    %cond3A_14 = arith.constant 0 : i32
    %cond3A_15 = arith.cmpi ne, %convert_element_type3A_13, %cond3A_14 : i32
    scf.if %cond3A_15 {
      %get3A_16 = arith.constant 0 : index
      %get3A_17 = arith.constant 0 : index
      %get3A_18 = vector.load %arg5[%get3A_16, %get3A_17] : memref<1024x80xf32, #tpu.memory_space<vmem>>, vector<1000x64xf32>
      %get3A_19 = arith.constant 0 : index
      %get3A_20 = arith.constant 64 : index
      %get3A_21 = vector.load %arg5[%get3A_19, %get3A_20] : memref<1024x80xf32, #tpu.memory_space<vmem>>, vector<1000x1xf32>
      %gt3A = arith.constant 0.000000e+00 : f32
      %gt3A_22 = vector.broadcast %gt3A : f32 to vector<1000x1xf32>
      %gt3A_23 = arith.cmpf ogt, %get3A_21, %gt3A_22 : vector<1000x1xf32>
      %jit3A = arith.constant 1.000000e+00 : f32
      %broadcast_in_dim3A = vector.broadcast %jit3A : f32 to vector<1000x1xf32>
      %select_n3A = arith.select %gt3A_23, %get3A_21, %broadcast_in_dim3A : vector<1000x1xi1>, vector<1000x1xf32>
      %div3A = vector.broadcast %select_n3A : vector<1000x1xf32> to vector<1000x64xf32>
      %div3A_24 = arith.divf %get3A_18, %div3A : vector<1000x64xf32>
      %get3A_25 = arith.constant 0 : index
      %get3A_26 = arith.constant 0 : index
      %get3A_27 = vector.load %arg3[%get3A_25, %get3A_26] : memref<1x1xf32, #tpu.memory_space<vmem>>, vector<1x1xf32>
      %get3A_28 = vector.extract %get3A_27[0, 0] : f32 from vector<1x1xf32>
      %get3A_29 = arith.constant 0 : index
      %get3A_30 = arith.constant 0 : index
      %get3A_31 = vector.load %arg2[%get3A_29, %get3A_30] : memref<1000x64xf32, #tpu.memory_space<vmem>>, vector<1000x64xf32>
      %mul3A = vector.broadcast %get3A_28 : f32 to vector<1000x64xf32>
      %mul3A_32 = arith.mulf %get3A_31, %mul3A : vector<1000x64xf32>
      %add3A_33 = arith.addf %div3A_24, %mul3A_32 : vector<1000x64xf32>
      %add3A_34 = arith.constant 1.000000e+00 : f32
      %add3A_35 = arith.addf %get3A_28, %add3A_34 : f32
      %div3A_36 = vector.broadcast %add3A_35 : f32 to vector<1000x64xf32>
      %div3A_37 = arith.divf %add3A_33, %div3A_36 : vector<1000x64xf32>
      %broadcast_in_dim3A_38 = vector.shape_cast %gt3A_23 : vector<1000x1xi1> to vector<1000x1xi1>
      %broadcast_in_dim3A_39 = vector.broadcast %broadcast_in_dim3A_38 : vector<1000x1xi1> to vector<1000x64xi1>
      %select_n3A_40 = arith.select %broadcast_in_dim3A_39, %div3A_37, %get3A_31 : vector<1000x64xi1>, vector<1000x64xf32>
      %swap3A_41 = arith.constant 0 : index
      %swap3A_42 = arith.constant 0 : index
      %swap3A_43 = vector.load %arg4[%swap3A_41, %swap3A_42] : memref<1000x64xf32, #tpu.memory_space<vmem>>, vector<1000x64xf32>
      tpu.vector_store %arg4[%swap3A_41, %swap3A_42], %select_n3A_40 {strides = array<i32>} : memref<1000x64xf32, #tpu.memory_space<vmem>>, vector<1000x64xf32>,
    } else {
    }
    return
  }
  func.func @transform_0(%arg0: i32) -> (i32, i32, i32) {
    %c0_i32 = arith.constant 0 : i32
    %c0_i32_0 = arith.constant 0 : i32
    %c0_i32_1 = arith.constant 0 : i32
    return %arg0, %c0_i32, %c0_i32_0 : i32, i32, i32
  }
  func.func @transform_1(%arg0: i32) -> (i32, i32) {
    %c0_i32 = arith.constant 0 : i32
    %c0_i32_0 = arith.constant 0 : i32
    %c0_i32_1 = arith.constant 0 : i32
    return %c0_i32, %c0_i32_0 : i32, i32
  }
  func.func @transform_2(%arg0: i32) -> (i32, i32) {
    %c0_i32 = arith.constant 0 : i32
    %c0_i32_0 = arith.constant 0 : i32
    %c0_i32_1 = arith.constant 0 : i32
    return %c0_i32, %c0_i32_0 : i32, i32
  }
  func.func @transform_3(%arg0: i32) -> (i32, i32) {
    %c0_i32 = arith.constant 0 : i32
    %c0_i32_0 = arith.constant 0 : i32
    %c0_i32_1 = arith.constant 0 : i32
    return %c0_i32, %c0_i32_0 : i32, i32
  }
}

</mosaic_0001>

<sc_bundles>
// kernel: kernel.4.cloned.1.call-start
scs
__scs_entry_jumppad:
0x0: {  	(pc) =	sbr.rel $0x88, $3  }
0x1: {  	(tag) =	ssettag $0x0;
	lr =	simm.s32 $0x1  }
0x2: {  	[smem:$0x3F9D] =	sst lr;
	_ =	strace $0xD0000000  }
0x3: {  	_ = 	snop  }
0x4: {  	_ = 	snop  }
0x5: {  	_ = 	snop  }
0x6: {  	_ = 	snop  }
0x7: {  	_ = 	snop  }
__scs_overlays_trampoline_lowered:
0x8: {  	[smem:$0x3FAC] =	sst s0  }
0x9: {  	[smem:$0x3FAD] =	sst s1  }
0xa: {  	[smem:$0x3FAE] =	sst s2  }
0xb: {  	[smem:$0x3FAF] =	sst s3  }
0xc: {  	[smem:$0x3FB0] =	sst s4  }
0xd: {  	[smem:$0x3FB1] =	sst s5  }
0xe: {  	[smem:$0x3FB2] =	sst s6  }
0xf: {  	[smem:$0x3FB3] =	sst s7  }
0x10: {  	[smem:$0x3FB4] =	sst s8  }
0x11: {  	[smem:$0x3FB5] =	sst s9;
	s0 =	simm.s32 @!p0 $0x0  }
0x12: {  	s1 =	sld [smem:$0x3F9B];
	s0 =	simm.s32 @p0 $0x1  }
0x13: {  	[smem:$0x3FB6] =	sst s0;
	s0 =	simm.s32 @!p1 $0x0  }
0x14: {  	s2 =	sld [smem:$0x3F9A];
	s0 =	simm.s32 @p1 $0x1  }
0x15: {  	[smem:$0x3FB7] =	sst s0;
	s0 =	simm.s32 @!p2 $0x0  }
0x16: {  	s3 =	sld [smem:$0x3FDB];
	s0 =	simm.s32 @p2 $0x1  }
0x17: {  	s4 =	simm.s32 $0x1BF5;
	[smem:$0x3FB9] =	sst s0  }
0x18: {  	s0 =	sld [smem:$0x3F9C];
	_ =	swait.ge [sflag:s4], $0x0  }
0x19: {  	s7 =	sld [smem:$0x3F9D]  }
0x1a: {  	s8 =	sadd.s32 $0xFFFFE003, lr  }
0x1b: {  	s9 =	sadd.s32 $0xFFFFFEF7, lr;
	s5 =	simm.s32 $0xFFFFFFFF;
	p2 =	slt.u32 s8, $0xFFFFF086  }
0x1c: {  	p1 =	slt.u32 s9, $0xF7A;
	s5 =	simm.s32 @!p2 $0x0  }
0x1d: {  	s5 =	simm.s32 @p1 $0x1;
	p0 =	seq.s32 s7, s2  }
0x1e: {  	s7 =	smul.u32 @!p0 $0xF7A, s2;
	p2 =	seq.s32 @!p0 s5, $0x0  }
0x1f: {  	s9 =	smul.u32 $0xF7A, s1;
	s8 =	simm.s32 @!p0 $0x1BF5;
	p2 =	por !p2, p0  }
0x20: {  	[sflag:s8] =	ssyncset.s32 @!p0 $0xFFFFF086;
	s6 =	sadd.s32 @!p0 s3, s7;
	s7 =	simm.s32 @!p0 $0x108  }
0x21: {  	s3 =	sadd.s32 s3, s9;
	s6 =	sadd.s32 @!p0 $0x88, s6;
	s7 =	simm.s32 @p2 $0x1082  }
0x22: {  	[simem:s7], [sflag:s8] =	dma.local @!p0 [hbm:s6], $0xF7A  }
0x23: {  	s9 =	sor.u32 $0xD0000000, s2;
	s6 =	simm.s32 $0x108;
	_ =	swait.ge @!p0 [sflag:s8], $0x0  }
0x24: {  	s3 =	sadd.s32 $0x88, s3;
	s6 =	simm.s32 @!p1 $0x1082;
	[sflag:s4] =	ssyncset.s32 $0xFFFFF086  }
0x25: {  	[simem:s6], [sflag:s4] =	dma.local [hbm:s3], $0xF7A  }
0x26: {  	[smem:$0x3F9D] =	sst s1;
	(tag) =	ssettag s2;
	_ =	strace s9  }
0x27: {  	s1 =	sld [smem:$0x3FAD]  }
0x28: {  	s2 =	sld [smem:$0x3FAE]  }
0x29: {  	s4 =	sld [smem:$0x3FB0]  }
0x2a: {  	p0 =	seq.s32 s5, $0x0;
	s5 =	sld [smem:$0x3FB1]  }
0x2b: {  	s6 =	sld [smem:$0x3FB2]  }
0x2c: {  	s7 =	sld [smem:$0x3FB3]  }
0x2d: {  	s3 =	simm.s32 $0x108;
	s8 =	sld [smem:$0x3FB4]  }
0x2e: {  	s3 =	simm.s32 @!p0 $0x1082;
	s9 =	sld [smem:$0x3FB5]  }
0x2f: {  	lr =	sadd.s32 s0, s3;
	s0 =	sld [smem:$0x3FAC]  }
0x30: {  	s3 =	sld [smem:$0x3FAF]  }
0x31: {  	[smem:$0x3FB8] =	sst s10  }
0x32: {  	s10 =	sld [smem:$0x3FB6];
	_ =	sdelay $0x3  }
0x33: {  	p0 =	seq.s32 s10, $0x1;
	s10 =	sld [smem:$0x3FB8];
	_ =	sdelay $0x3  }
0x34: {  	[smem:$0x3FB8] =	sst s10  }
0x35: {  	s10 =	sld [smem:$0x3FB7];
	_ =	sdelay $0x3  }
0x36: {  	p1 =	seq.s32 s10, $0x1;
	s10 =	sld [smem:$0x3FB8];
	_ =	sdelay $0x3  }
0x37: {  	[smem:$0x3FB8] =	sst s10  }
0x38: {  	s10 =	sld [smem:$0x3FB9]  }
0x39: {  	_ = 	snop;
	(pc) =	sbr.ind lr, $3  }
0x3a: {  	_ = 	snop  }
0x3b: {  	_ = 	snop  }
0x3c: {  	p2 =	seq.s32 s10, $0x1;
	s10 =	sld [smem:$0x3FB8]  }
0x3d: {  	_ =	shalt  }
0x3e: {  	_ =	shalt  }
0x3f: {  	_ =	shalt  }
0x40: {  	_ =	shalt  }
0x41: {  	_ =	shalt  }
0x42: {  	_ =	shalt  }
0x43: {  	_ =	shalt  }
0x44: {  	_ =	shalt  }
0x45: {  	_ =	shalt  }
0x46: {  	_ =	shalt  }
0x47: {  	_ =	shalt  }
0x48: {  	_ =	shalt  }
0x49: {  	_ =	shalt  }
0x4a: {  	_ =	shalt  }
0x4b: {  	_ =	shalt  }
0x4c: {  	_ =	shalt  }
0x4d: {  	_ =	shalt  }
0x4e: {  	_ =	shalt  }
0x4f: {  	_ =	shalt  }
0x50: {  	_ =	shalt  }
0x51: {  	_ =	shalt  }
0x52: {  	_ =	shalt  }
0x53: {  	_ =	shalt  }
0x54: {  	_ =	shalt  }
0x55: {  	_ =	shalt  }
0x56: {  	_ =	shalt  }
0x57: {  	_ =	shalt  }
0x58: {  	_ =	shalt  }
0x59: {  	_ =	shalt  }
0x5a: {  	_ =	shalt  }
0x5b: {  	_ =	shalt  }
0x5c: {  	_ =	shalt  }
0x5d: {  	_ =	shalt  }
0x5e: {  	_ =	shalt  }
0x5f: {  	_ =	shalt  }
0x60: {  	_ =	shalt  }
0x61: {  	_ =	shalt  }
0x62: {  	_ =	shalt  }
0x63: {  	_ =	shalt  }
0x64: {  	_ =	shalt  }
0x65: {  	_ =	shalt  }
0x66: {  	_ =	shalt  }
0x67: {  	_ =	shalt  }
0x68: {  	_ =	shalt  }
0x69: {  	_ =	shalt  }
0x6a: {  	_ =	shalt  }
0x6b: {  	_ =	shalt  }
0x6c: {  	_ =	shalt  }
0x6d: {  	_ =	shalt  }
0x6e: {  	_ =	shalt  }
0x6f: {  	_ =	shalt  }
0x70: {  	_ =	shalt  }
0x71: {  	_ =	shalt  }
0x72: {  	_ =	shalt  }
0x73: {  	_ =	shalt  }
0x74: {  	_ =	shalt  }
0x75: {  	_ =	shalt  }
0x76: {  	_ =	shalt  }
0x77: {  	_ =	shalt  }
0x78: {  	_ =	shalt  }
0x79: {  	_ =	shalt  }
0x7a: {  	_ =	shalt  }
0x7b: {  	_ =	shalt  }
0x7c: {  	_ =	shalt  }
0x7d: {  	_ =	shalt  }
0x7e: {  	_ =	shalt  }
0x7f: {  	_ =	shalt  }
0x80: {  	_ =	shalt  }
0x81: {  	_ =	shalt  }
0x82: {  	_ =	shalt  }
0x83: {  	_ =	shalt  }
0x84: {  	_ =	shalt  }
0x85: {  	_ =	shalt  }
0x86: {  	_ =	shalt  }
0x87: {  	_ =	shalt  }
.Lfunc_end0:
.L_simem_size_0:
called_computation_lowered:
.L_overlay_start_0:
0x88: {  	s2 =	sld [smem:$0x3FD9]  }
0x89: {  	s3 =	sld [smem:$0x3FFE];
	_ =	sdelay $0x1  }
0x8a: {  	s1 =	srdreg.scid  }
0x8b: {  	s0 =	sand.u32 $0x1, s1  }
0x8c: {  	s14 =	sshll.u32 s0, $0xA;
	s2 =	sadd.s32 s3, s2  }
0x8d: {  	s2 =	sadd.s32 s2, s14  }
0x8e: {  	[smem:$0x3FC4] =	sst s2  }
0x8f: {  	_ = 	snop  }
0x90: {  	s2 =	sld [smem:$0x3FD0];
	_ =	sdelay $0x2  }
0x91: {  	s4 =	simm.s32 $0xA;
	s5 =	simm.s32 $0x10;
	s15 =	sld [smem:$0x3FC8]  }
0x92: {  	[smem:s5], [sflag:s4] =	dma.local [hbm:s2], $0x1  }
0x93: {  	_ =	swait.eq [sflag:s4], $0x1  }
0x94: {  	[sflag:s4] =	ssyncset.done $0x0  }
0x95: {  	[sflag:s4] =	ssyncadd.s32 $0xFFFFFFFF  }
0x96: {  	s16 =	sld [smem:$0x10];
	(tm) =	ssettm $0x1  }
0x97: {  	s17 =	sld [smem:$0x3FFB];
	_ =	sdelay $0x3  }
0x98: {  	_ =	strace s17  }
0x99: {  	s4 =	sld [smem:$0x3FFC];
	_ =	sdelay $0x3  }
0x9a: {  	_ =	strace s4  }
0x9b: {  	s4 =	sld [smem:$0x3FFD];
	_ =	sdelay $0x3  }
0x9c: {  	_ =	strace s4  }
0x9d: {  	_ =	strace $0x8FFFFFFF  }
0x9e: {  	s18 =	sld [smem:$0x3FDB];
	_ =	sdelay $0x1  }
0x9f: {  	s19 =	simm.s32 $_scs_section_size  }
0xa0: {  	s6 =	simm.s32 $_size__tile_overlayer_lowered;
	s7 =	simm.s32 $_tile_overlayer_lowered  }
0xa1: {  	s22 =	simm.s32 $0x1BFF;
	s21 =	sshll.u32 s7, $0x1;
	s4 =	sadd.s32 s19, s18  }
0xa2: {  	s8 =	simm.s32 $0x0;
	s20 =	sshll.u32 s6, $0x1;
	s6 =	sadd.s32 s21, s4  }
0xa3: {  	[timem:s8], [sflag:s22] =	dma.local [hbm:s6], s20  }
0xa4: {  	_ =	swait.ge [sflag:s22], s20  }
0xa5: {  	s5 =	ssub.s32 $0x0, s20;
	[sflag:s22] =	ssyncset.done $0x0  }
0xa6: {  	[sflag:s22] =	ssyncadd.s32 s5;
	_ =	sdelay $0x1  }
0xa7: {  	s23 =	simm.s32 $0x1B8B  }
0xa8: {  	_ =	swait.ge [sflag:s23], $0x1  }
0xa9: {  	[sflag:s23] =	ssyncset.done $0x0  }
0xaa: {  	s25 =	simm.s32 $0x1B8E;
	s24 =	sld [smem:$0x3FFE];
	[sflag:s23] =	ssyncadd.s32 $0xFFFFFFFF  }
0xab: {  	s26 =	simm.s32 $execute0_lowered;
	[smem:$0x3FD2] =	sst s25  }
0xac: {  	s6 =	sshll.u32 s26, $0x1;
	_ =	strace $0x80000046;
	[dreg:$0x1] =	wrdreg $0xFFFFFFFF  }
0xad: {  	s28 =	simm.s32 $_size_execute0_lowered;
	s4 =	sadd.s32 s4, s6;
	[dreg:$0x0] =	wrdreg $0x0  }
0xae: {  	s6 =	sshll.u32 s28, $0x1;
	[dreg:$0x2] =	wrdreg s4  }
0xaf: {  	[dreg:$0x3] =	wrdreg s6  }
0xb0: {  	[dreg:$0x4] =	wrdreg $0xC0  }
0xb1: {  	_ =	task [dreg:s8], $0x5FFFF  }
0xb2: {  	[dreg:$0x1] =	wrdreg $0xFFFFFFFF  }
0xb3: {  	[dreg:$0x0] =	wrdreg $0x60  }
0xb4: {  	[dreg:$0x2] =	wrdreg s24  }
0xb5: {  	[dreg:$0x3] =	wrdreg s15  }
0xb6: {  	[dreg:$0x4] =	wrdreg s16  }
0xb7: {  	[dreg:$0x5] =	wrdreg $0x9  }
0xb8: {  	_ =	task.clear_ibuf [dreg:s8], $0x6FFFF;
	_ =	strace $0x90000046  }
0xb9: {  	s29 =	simm.s32 $0x9;
	_ =	strace $0x80000048  }
0xba: {  	_ =	swait.ge [sflag:s29], $0x1  }
0xbb: {  	[sflag:s29] =	ssyncadd.s32 $0xFFFFFFFF  }
0xbc: {  	_ =	strace $0x90000048  }
0xbd: {  	_ =	sfence  }
0xbe: {  	s30 =	sld [smem:$0x0];
	_ =	sdelay $0x2  }
0xbf: {  	s31 =	sshll.u32 s1, $0xD;
	s1 =	sshrl.u32 s1, $0x2  }
0xc0: {  	s3 =	sand.u32 $0x4000, s31;
	s1 =	sadd.s32 s1, s30  }
0xc1: {  	s0 =	sor.u32 s3, s0;
	s1 =	sshll.u32 s1, $0x11  }
0xc2: {  	s0 =	sor.u32 s1, s0  }
0xc3: {  	s0 =	sadd.s32 $0x8F2B, s0  }
0xc4: {  	[sflag:s0] =	ssyncadd.remote.s32 $0x1  }
0xc5: {  	_ =	sfence.sel $0xFFFF  }
0xc6: {  	[dreg:$0x0] =	wrdreg $0xFFFFFFFF;
	(pc) =	sbr.abs _section_cstart, $3  }
0xc7: {  	[dreg:$0x1] =	wrdreg $0xFFFFFFFF  }
0xc8: {  	_ =	task.clear_ibuf [dreg:s8], $0x2FFFF;
	_ =	strace $0x9FFFFFFF  }
0xc9: {  	(tm) =	ssettm $0x7FFFFFFF  }
tec
execute0_lowered:
.L_overlay_start_1:
0x0: {  	(tag) =	ssettag $0x1  }
0x1: {  	s4 =	rddreg [dreg:$0x0]  }
0x2: {  	s6 =	rddreg [dreg:$0x1]  }
0x3: {  	s0 =	srdreg.scid;
	s2 =	rddreg [dreg:$0x2];
	s3 =	simm.s32 $0x0  }
0x4: {  	s11 =	simm.s32 $0x80;
	s12 =	simm.s32 $0x400;
	s5 =	sand.u32 $0x1, s0  }
0x5: {  	s13 =	simm.s32 $0x0;
	s0 =	stileid.u32;
	s1 =	sshll.u32 s5, $0x4  }
0x6: {  	[smem:$0x7FF] =	sst s3;
	s9 =	sshll.u32 s0, $0x7;
	s7 =	sor.u32 s0, s1  }
0x7: {  	s5 =	ssub.s32 $0x2, s5;
	s1 =	rddreg [dreg:$0x3];
	s8 =	sshrl.u32 s7, $0x3  }
0x8: {  	_ =	strace $0x80000047;
	s9 =	sand.u32 $0x380, s9;
	s8 =	smul.u32 $0xA0000, s8  }
0x9: {  	s31 =	sshrl.u32 s5, $0x1;
	s10 =	sshll.u32 s7, $0xD;
	s7 =	sshll.u32 s7, $0x6  }
0xa: {  	s10 =	sadd.s32 s10, s4;
	s8 =	sor.u32 s9, s8;
	s9 =	ssub.s32 s5, s31  }
0xb: {  	v0 =	vlaneseq.u32;
	s5 =	sadd.s32 $0x800, s10;
	s10 =	simm.s32 $0x4000;
	s8 =	sshrl.u32 s8, $0x3  }
0xc: {  	v5 =	vimm.f32 $1.000000000e+00;
	v1 =	vor.u32 $0x10, v0;
	s8 =	sadd.s32 s8, s4;
	s4 =	sadd.s32 s6, s7;
	s7 =	smax.u32 s9, $0x1  }
0xd: {  	v2 =	vor.u32 $0x20, v0;
	v3 =	vor.u32 $0x30, v0;
	v4 =	vor.u32 $0x40, v0;
	s9 =	simm.s32 $0x1;
	s6 =	sadd.s32 $0x40800, s8;
	s8 =	simm.s32 $0x4200  }
.LBB2_1:
0xe: {  	[tilespmem:s8], [sflag:$0x1] =	stream.linear.gather [hbm4b:s2+s3], $0x14000, $0x38;
	[tilespmem:$0x18200] =	vst v63  }
0xf: {  	_ =	swait.ge [sflag:s9], $0x14000  }
0x10: {  	[sflag:s9] =	ssyncset.done $0x0  }
0x11: {  	[sflag:s9] =	ssyncadd.s32 $0xFFFEC000  }
0x12: {  	[tilespmem:s10], [sflag:$0x1] =	stream.linear.gather [hbm4b:s4+s3], $0x200, $0x38;
	[tilespmem:$0x18200] =	vst v63  }
0x13: {  	_ =	swait.ge [sflag:s9], $0x200  }
0x14: {  	[sflag:s9] =	ssyncset.done $0x0  }
0x15: {  	s14 =	simm.s32 $0x0;
	s15 =	simm.s32 $0x0;
	[sflag:s9] =	ssyncadd.s32 $0xFFFFFE00  }
.LBB2_2:
0x16: {  	s16 =	sshll.u32 s15, $0xB  }
0x17: {  	s17 =	sadd.s32 s16, s5;
	s16 =	simm.s32 $0x0  }
0x18: {  	[tilespmem:s16], [sflag:$0x1] =	stream.linear.gather [hbm4b:s17+s16], $0x4000, $0x38;
	[tilespmem:$0x18200] =	vst v63  }
0x19: {  	_ =	swait.ge [sflag:s9], $0x4000  }
0x1a: {  	[sflag:s9] =	ssyncset.done $0x0  }
0x1b: {  	s17 =	simm.s32 $0x400;
	[sflag:s9] =	ssyncadd.s32 $0xFFFFC000  }
.LBB2_3:
0x1c: {  	s18 =	sadd.s32 s16, s14  }
0x1d: {  	v6 =	vmov s18  }
0x1e: {  	v6 =	vand.u32 $0xFFFFFFF0, v6  }
0x1f: {  	v6 =	vbroadcast v6, $0x0;
	_ =	sdelay $0x5  }
0x20: {  	v6 =	vld.idx.msk [tilespmem:v6+s10+$0x0], $0xffff;
	_ =	sdelay $0x4  }
0x21: {  	v6 =	vmul.u32 $0x50, v6;
	_ =	sdelay $0x1  }
0x22: {  	v7 =	vld [tilespmem:s17+$0xFFFFFC00];
	v8 =	vor.u32 v0, v6;
	_ =	sdelay $0x4  }
0x23: {  	[tilespmem:v8+s8+$0x0] =	vst.idx.add.f32.msk $0xffff, v7  }
0x24: {  	v7 =	vadd.s32 v1, v6;
	v8 =	vld [tilespmem:s17+$0xFFFFFC10];
	_ =	sdelay $0x4  }
0x25: {  	[tilespmem:v7+s8+$0x0] =	vst.idx.add.f32.msk $0xffff, v8  }
0x26: {  	v7 =	vadd.s32 v2, v6;
	v8 =	vld [tilespmem:s17+$0xFFFFFC20];
	_ =	sdelay $0x3  }
0x27: {  	s19 =	sadd.s32 $0x1, s18  }
0x28: {  	[tilespmem:v7+s8+$0x0] =	vst.idx.add.f32.msk $0xffff, v8;
	v7 =	vmov s19  }
0x29: {  	v34 =	vadd.s32 v3, v6;
	v9 =	vld [tilespmem:s17+$0xFFFFFC30];
	v7 =	vand.u32 $0xFFFFFFF1, v7  }
0x2a: {  	v6 =	vadd.s32 v4, v6;
	v7 =	vbroadcast v7, $0x0;
	_ =	sdelay $0x3  }
0x2b: {  	[tilespmem:v34+s8+$0x0] =	vst.idx.add.f32.msk $0xffff, v9  }
0x2c: {  	[tilespmem:v6+s8+$0x0] =	vst.idx.add.f32.msk $0xffff, v5  }
0x2d: {  	v6 =	vld.idx.msk [tilespmem:v7+s10+$0x0], $0xffff;
	_ =	sdelay $0x4  }
0x2e: {  	v6 =	vmul.u32 $0x50, v6;
	_ =	sdelay $0x1  }
0x2f: {  	v7 =	vld [tilespmem:s17+$0xFFFFFC80];
	v35 =	vor.u32 v0, v6;
	_ =	sdelay $0x4  }
0x30: {  	[tilespmem:v35+s8+$0x0] =	vst.idx.add.f32.msk $0xffff, v7  }
0x31: {  	v7 =	vadd.s32 v1, v6;
	v8 =	vld [tilespmem:s17+$0xFFFFFC90];
	_ =	sdelay $0x4  }
0x32: {  	[tilespmem:v7+s8+$0x0] =	vst.idx.add.f32.msk $0xffff, v8  }
0x33: {  	v7 =	vadd.s32 v2, v6;
	v8 =	vld [tilespmem:s17+$0xFFFFFCA0];
	_ =	sdelay $0x3  }
0x34: {  	s30 =	sadd.s32 $0x2, s18  }
0x35: {  	[tilespmem:v7+s8+$0x0] =	vst.idx.add.f32.msk $0xffff, v8;
	v7 =	vmov s30  }
0x36: {  	v36 =	vadd.s32 v3, v6;
	v9 =	vld [tilespmem:s17+$0xFFFFFCB0];
	v7 =	vand.u32 $0xFFFFFFF2, v7  }
0x37: {  	v6 =	vadd.s32 v4, v6;
	v7 =	vbroadcast v7, $0x0;
	_ =	sdelay $0x3  }
0x38: {  	[tilespmem:v36+s8+$0x0] =	vst.idx.add.f32.msk $0xffff, v9  }
0x39: {  	[tilespmem:v6+s8+$0x0] =	vst.idx.add.f32.msk $0xffff, v5  }
0x3a: {  	v6 =	vld.idx.msk [tilespmem:v7+s10+$0x0], $0xffff;
	_ =	sdelay $0x4  }
0x3b: {  	v6 =	vmul.u32 $0x50, v6;
	_ =	sdelay $0x1  }
0x3c: {  	v7 =	vld [tilespmem:s17+$0xFFFFFD00];
	v37 =	vor.u32 v0, v6;
	_ =	sdelay $0x4  }
0x3d: {  	[tilespmem:v37+s8+$0x0] =	vst.idx.add.f32.msk $0xffff, v7  }
0x3e: {  	v7 =	vadd.s32 v1, v6;
	v8 =	vld [tilespmem:s17+$0xFFFFFD10];
	_ =	sdelay $0x4  }
0x3f: {  	[tilespmem:v7+s8+$0x0] =	vst.idx.add.f32.msk $0xffff, v8  }
0x40: {  	v7 =	vadd.s32 v2, v6;
	v8 =	vld [tilespmem:s17+$0xFFFFFD20];
	_ =	sdelay $0x3  }
0x41: {  	s31 =	sadd.s32 $0x3, s18  }
0x42: {  	[tilespmem:v7+s8+$0x0] =	vst.idx.add.f32.msk $0xffff, v8;
	v7 =	vmov s31  }
0x43: {  	v38 =	vadd.s32 v3, v6;
	v9 =	vld [tilespmem:s17+$0xFFFFFD30];
	v7 =	vand.u32 $0xFFFFFFF3, v7  }
0x44: {  	v6 =	vadd.s32 v4, v6;
	v7 =	vbroadcast v7, $0x0;
	_ =	sdelay $0x3  }
0x45: {  	[tilespmem:v38+s8+$0x0] =	vst.idx.add.f32.msk $0xffff, v9  }
0x46: {  	[tilespmem:v6+s8+$0x0] =	vst.idx.add.f32.msk $0xffff, v5  }
0x47: {  	v6 =	vld.idx.msk [tilespmem:v7+s10+$0x0], $0xffff;
	_ =	sdelay $0x4  }
0x48: {  	v6 =	vmul.u32 $0x50, v6;
	_ =	sdelay $0x1  }
0x49: {  	v7 =	vld [tilespmem:s17+$0xFFFFFD80];
	v39 =	vor.u32 v0, v6;
	_ =	sdelay $0x4  }
0x4a: {  	[tilespmem:v39+s8+$0x0] =	vst.idx.add.f32.msk $0xffff, v7  }
0x4b: {  	v7 =	vadd.s32 v1, v6;
	v8 =	vld [tilespmem:s17+$0xFFFFFD90];
	_ =	sdelay $0x4  }
0x4c: {  	[tilespmem:v7+s8+$0x0] =	vst.idx.add.f32.msk $0xffff, v8  }
0x4d: {  	v7 =	vadd.s32 v2, v6;
	v8 =	vld [tilespmem:s17+$0xFFFFFDA0];
	_ =	sdelay $0x3  }
0x4e: {  	s20 =	sadd.s32 $0x4, s18  }
0x4f: {  	[tilespmem:v7+s8+$0x0] =	vst.idx.add.f32.msk $0xffff, v8;
	v7 =	vmov s20  }
0x50: {  	v40 =	vadd.s32 v3, v6;
	v9 =	vld [tilespmem:s17+$0xFFFFFDB0];
	v7 =	vand.u32 $0xFFFFFFF4, v7  }
0x51: {  	v6 =	vadd.s32 v4, v6;
	v7 =	vbroadcast v7, $0x0;
	_ =	sdelay $0x3  }
0x52: {  	[tilespmem:v40+s8+$0x0] =	vst.idx.add.f32.msk $0xffff, v9  }
0x53: {  	[tilespmem:v6+s8+$0x0] =	vst.idx.add.f32.msk $0xffff, v5  }
0x54: {  	v6 =	vld.idx.msk [tilespmem:v7+s10+$0x0], $0xffff;
	_ =	sdelay $0x4  }
0x55: {  	v6 =	vmul.u32 $0x50, v6;
	_ =	sdelay $0x1  }
0x56: {  	v7 =	vld [tilespmem:s17+$0xFFFFFE00];
	v41 =	vor.u32 v0, v6;
	_ =	sdelay $0x4  }
0x57: {  	[tilespmem:v41+s8+$0x0] =	vst.idx.add.f32.msk $0xffff, v7  }
0x58: {  	v7 =	vadd.s32 v1, v6;
	v8 =	vld [tilespmem:s17+$0xFFFFFE10];
	_ =	sdelay $0x4  }
0x59: {  	[tilespmem:v7+s8+$0x0] =	vst.idx.add.f32.msk $0xffff, v8  }
0x5a: {  	v7 =	vadd.s32 v2, v6;
	v8 =	vld [tilespmem:s17+$0xFFFFFE20];
	_ =	sdelay $0x3  }
0x5b: {  	s21 =	sadd.s32 $0x5, s18  }
0x5c: {  	[tilespmem:v7+s8+$0x0] =	vst.idx.add.f32.msk $0xffff, v8;
	v7 =	vmov s21  }
0x5d: {  	v42 =	vadd.s32 v3, v6;
	v9 =	vld [tilespmem:s17+$0xFFFFFE30];
	v7 =	vand.u32 $0xFFFFFFF5, v7  }
0x5e: {  	v6 =	vadd.s32 v4, v6;
	v7 =	vbroadcast v7, $0x0;
	_ =	sdelay $0x3  }
0x5f: {  	[tilespmem:v42+s8+$0x0] =	vst.idx.add.f32.msk $0xffff, v9  }
0x60: {  	[tilespmem:v6+s8+$0x0] =	vst.idx.add.f32.msk $0xffff, v5  }
0x61: {  	v6 =	vld.idx.msk [tilespmem:v7+s10+$0x0], $0xffff;
	_ =	sdelay $0x4  }
0x62: {  	v6 =	vmul.u32 $0x50, v6;
	_ =	sdelay $0x1  }
0x63: {  	v7 =	vld [tilespmem:s17+$0xFFFFFE80];
	v43 =	vor.u32 v0, v6;
	_ =	sdelay $0x4  }
0x64: {  	[tilespmem:v43+s8+$0x0] =	vst.idx.add.f32.msk $0xffff, v7  }
0x65: {  	v7 =	vadd.s32 v1, v6;
	v8 =	vld [tilespmem:s17+$0xFFFFFE90];
	_ =	sdelay $0x4  }
0x66: {  	[tilespmem:v7+s8+$0x0] =	vst.idx.add.f32.msk $0xffff, v8  }
0x67: {  	v7 =	vadd.s32 v2, v6;
	v8 =	vld [tilespmem:s17+$0xFFFFFEA0];
	_ =	sdelay $0x3  }
0x68: {  	s22 =	sadd.s32 $0x6, s18  }
0x69: {  	[tilespmem:v7+s8+$0x0] =	vst.idx.add.f32.msk $0xffff, v8;
	v7 =	vmov s22  }
0x6a: {  	v44 =	vadd.s32 v3, v6;
	v9 =	vld [tilespmem:s17+$0xFFFFFEB0];
	v7 =	vand.u32 $0xFFFFFFF6, v7  }
0x6b: {  	v6 =	vadd.s32 v4, v6;
	v7 =	vbroadcast v7, $0x0;
	_ =	sdelay $0x3  }
0x6c: {  	[tilespmem:v44+s8+$0x0] =	vst.idx.add.f32.msk $0xffff, v9  }
0x6d: {  	[tilespmem:v6+s8+$0x0] =	vst.idx.add.f32.msk $0xffff, v5  }
0x6e: {  	v6 =	vld.idx.msk [tilespmem:v7+s10+$0x0], $0xffff;
	_ =	sdelay $0x4  }
0x6f: {  	v6 =	vmul.u32 $0x50, v6;
	_ =	sdelay $0x1  }
0x70: {  	v7 =	vld [tilespmem:s17+$0xFFFFFF00];
	v45 =	vor.u32 v0, v6;
	_ =	sdelay $0x4  }
0x71: {  	[tilespmem:v45+s8+$0x0] =	vst.idx.add.f32.msk $0xffff, v7  }
0x72: {  	v7 =	vadd.s32 v1, v6;
	v8 =	vld [tilespmem:s17+$0xFFFFFF10];
	_ =	sdelay $0x4  }
0x73: {  	[tilespmem:v7+s8+$0x0] =	vst.idx.add.f32.msk $0xffff, v8  }
0x74: {  	v7 =	vadd.s32 v2, v6;
	v8 =	vld [tilespmem:s17+$0xFFFFFF20];
	_ =	sdelay $0x3  }
0x75: {  	s23 =	sadd.s32 $0x7, s18  }
0x76: {  	[tilespmem:v7+s8+$0x0] =	vst.idx.add.f32.msk $0xffff, v8;
	v7 =	vmov s23  }
0x77: {  	v46 =	vadd.s32 v3, v6;
	v9 =	vld [tilespmem:s17+$0xFFFFFF30];
	v7 =	vand.u32 $0xFFFFFFF7, v7  }
0x78: {  	v6 =	vadd.s32 v4, v6;
	v7 =	vbroadcast v7, $0x0;
	_ =	sdelay $0x3  }
0x79: {  	[tilespmem:v46+s8+$0x0] =	vst.idx.add.f32.msk $0xffff, v9  }
0x7a: {  	[tilespmem:v6+s8+$0x0] =	vst.idx.add.f32.msk $0xffff, v5  }
0x7b: {  	v6 =	vld.idx.msk [tilespmem:v7+s10+$0x0], $0xffff;
	_ =	sdelay $0x4  }
0x7c: {  	v6 =	vmul.u32 $0x50, v6;
	_ =	sdelay $0x1  }
0x7d: {  	v7 =	vld [tilespmem:s17+$0xFFFFFF80];
	v47 =	vor.u32 v0, v6;
	_ =	sdelay $0x4  }
0x7e: {  	[tilespmem:v47+s8+$0x0] =	vst.idx.add.f32.msk $0xffff, v7  }
0x7f: {  	v7 =	vadd.s32 v1, v6;
	v8 =	vld [tilespmem:s17+$0xFFFFFF90];
	_ =	sdelay $0x4  }
0x80: {  	[tilespmem:v7+s8+$0x0] =	vst.idx.add.f32.msk $0xffff, v8  }
0x81: {  	v7 =	vadd.s32 v2, v6;
	v8 =	vld [tilespmem:s17+$0xFFFFFFA0];
	_ =	sdelay $0x3  }
0x82: {  	s24 =	sadd.s32 $0x8, s18  }
0x83: {  	[tilespmem:v7+s8+$0x0] =	vst.idx.add.f32.msk $0xffff, v8;
	v7 =	vmov s24  }
0x84: {  	v48 =	vadd.s32 v3, v6;
	v9 =	vld [tilespmem:s17+$0xFFFFFFB0];
	v7 =	vand.u32 $0xFFFFFFF8, v7  }
0x85: {  	v6 =	vadd.s32 v4, v6;
	v7 =	vbroadcast v7, $0x0;
	_ =	sdelay $0x3  }
0x86: {  	[tilespmem:v48+s8+$0x0] =	vst.idx.add.f32.msk $0xffff, v9  }
0x87: {  	[tilespmem:v6+s8+$0x0] =	vst.idx.add.f32.msk $0xffff, v5  }
0x88: {  	v6 =	vld.idx.msk [tilespmem:v7+s10+$0x0], $0xffff;
	_ =	sdelay $0x4  }
0x89: {  	v6 =	vmul.u32 $0x50, v6;
	_ =	sdelay $0x1  }
0x8a: {  	v7 =	vld [tilespmem:s17+$0x0];
	v49 =	vor.u32 v0, v6;
	_ =	sdelay $0x4  }
0x8b: {  	[tilespmem:v49+s8+$0x0] =	vst.idx.add.f32.msk $0xffff, v7  }
0x8c: {  	v7 =	vadd.s32 v1, v6;
	v8 =	vld [tilespmem:s17+$0x10];
	_ =	sdelay $0x4  }
0x8d: {  	[tilespmem:v7+s8+$0x0] =	vst.idx.add.f32.msk $0xffff, v8  }
0x8e: {  	v7 =	vadd.s32 v2, v6;
	v8 =	vld [tilespmem:s17+$0x20];
	_ =	sdelay $0x3  }
0x8f: {  	s25 =	sadd.s32 $0x9, s18  }
0x90: {  	[tilespmem:v7+s8+$0x0] =	vst.idx.add.f32.msk $0xffff, v8;
	v7 =	vmov s25  }
0x91: {  	v50 =	vadd.s32 v3, v6;
	v9 =	vld [tilespmem:s17+$0x30];
	v7 =	vand.u32 $0xFFFFFFF9, v7  }
0x92: {  	v6 =	vadd.s32 v4, v6;
	v7 =	vbroadcast v7, $0x0;
	_ =	sdelay $0x3  }
0x93: {  	[tilespmem:v50+s8+$0x0] =	vst.idx.add.f32.msk $0xffff, v9  }
0x94: {  	[tilespmem:v6+s8+$0x0] =	vst.idx.add.f32.msk $0xffff, v5  }
0x95: {  	v6 =	vld.idx.msk [tilespmem:v7+s10+$0x0], $0xffff;
	_ =	sdelay $0x4  }
0x96: {  	v6 =	vmul.u32 $0x50, v6;
	_ =	sdelay $0x1  }
0x97: {  	v7 =	vld [tilespmem:s17+$0x80];
	v51 =	vor.u32 v0, v6;
	_ =	sdelay $0x4  }
0x98: {  	[tilespmem:v51+s8+$0x0] =	vst.idx.add.f32.msk $0xffff, v7  }
0x99: {  	v7 =	vadd.s32 v1, v6;
	v8 =	vld [tilespmem:s17+$0x90];
	_ =	sdelay $0x4  }
0x9a: {  	[tilespmem:v7+s8+$0x0] =	vst.idx.add.f32.msk $0xffff, v8  }
0x9b: {  	v7 =	vadd.s32 v2, v6;
	v8 =	vld [tilespmem:s17+$0xA0];
	_ =	sdelay $0x3  }
0x9c: {  	s26 =	sadd.s32 $0xA, s18  }
0x9d: {  	[tilespmem:v7+s8+$0x0] =	vst.idx.add.f32.msk $0xffff, v8;
	v7 =	vmov s26  }
0x9e: {  	v52 =	vadd.s32 v3, v6;
	v9 =	vld [tilespmem:s17+$0xB0];
	v7 =	vand.u32 $0xFFFFFFFA, v7  }
0x9f: {  	v6 =	vadd.s32 v4, v6;
	v7 =	vbroadcast v7, $0x0;
	_ =	sdelay $0x3  }
0xa0: {  	[tilespmem:v52+s8+$0x0] =	vst.idx.add.f32.msk $0xffff, v9  }
0xa1: {  	[tilespmem:v6+s8+$0x0] =	vst.idx.add.f32.msk $0xffff, v5  }
0xa2: {  	v6 =	vld.idx.msk [tilespmem:v7+s10+$0x0], $0xffff;
	_ =	sdelay $0x4  }
0xa3: {  	v6 =	vmul.u32 $0x50, v6;
	_ =	sdelay $0x1  }
0xa4: {  	v7 =	vld [tilespmem:s17+$0x100];
	v53 =	vor.u32 v0, v6;
	_ =	sdelay $0x4  }
0xa5: {  	[tilespmem:v53+s8+$0x0] =	vst.idx.add.f32.msk $0xffff, v7  }
0xa6: {  	v7 =	vadd.s32 v1, v6;
	v8 =	vld [tilespmem:s17+$0x110];
	_ =	sdelay $0x4  }
0xa7: {  	[tilespmem:v7+s8+$0x0] =	vst.idx.add.f32.msk $0xffff, v8  }
0xa8: {  	v7 =	vadd.s32 v2, v6;
	v8 =	vld [tilespmem:s17+$0x120];
	_ =	sdelay $0x3  }
0xa9: {  	s28 =	sadd.s32 $0xB, s18  }
0xaa: {  	[tilespmem:v7+s8+$0x0] =	vst.idx.add.f32.msk $0xffff, v8;
	v7 =	vmov s28  }
0xab: {  	v54 =	vadd.s32 v3, v6;
	v9 =	vld [tilespmem:s17+$0x130];
	v7 =	vand.u32 $0xFFFFFFFB, v7  }
0xac: {  	v6 =	vadd.s32 v4, v6;
	v7 =	vbroadcast v7, $0x0;
	_ =	sdelay $0x3  }
0xad: {  	[tilespmem:v54+s8+$0x0] =	vst.idx.add.f32.msk $0xffff, v9  }
0xae: {  	[tilespmem:v6+s8+$0x0] =	vst.idx.add.f32.msk $0xffff, v5  }
0xaf: {  	v6 =	vld.idx.msk [tilespmem:v7+s10+$0x0], $0xffff;
	_ =	sdelay $0x4  }
0xb0: {  	v6 =	vmul.u32 $0x50, v6;
	_ =	sdelay $0x1  }
0xb1: {  	v7 =	vld [tilespmem:s17+$0x180];
	v55 =	vor.u32 v0, v6;
	_ =	sdelay $0x4  }
0xb2: {  	[tilespmem:v55+s8+$0x0] =	vst.idx.add.f32.msk $0xffff, v7  }
0xb3: {  	v7 =	vadd.s32 v1, v6;
	v8 =	vld [tilespmem:s17+$0x190];
	_ =	sdelay $0x4  }
0xb4: {  	[tilespmem:v7+s8+$0x0] =	vst.idx.add.f32.msk $0xffff, v8  }
0xb5: {  	v7 =	vadd.s32 v2, v6;
	v8 =	vld [tilespmem:s17+$0x1A0];
	_ =	sdelay $0x3  }
0xb6: {  	s29 =	sadd.s32 $0xC, s18  }
0xb7: {  	[tilespmem:v7+s8+$0x0] =	vst.idx.add.f32.msk $0xffff, v8;
	v7 =	vmov s29  }
0xb8: {  	v56 =	vadd.s32 v3, v6;
	v9 =	vld [tilespmem:s17+$0x1B0];
	v7 =	vand.u32 $0xFFFFFFFC, v7  }
0xb9: {  	v6 =	vadd.s32 v4, v6;
	v7 =	vbroadcast v7, $0x0;
	_ =	sdelay $0x3  }
0xba: {  	[tilespmem:v56+s8+$0x0] =	vst.idx.add.f32.msk $0xffff, v9  }
0xbb: {  	[tilespmem:v6+s8+$0x0] =	vst.idx.add.f32.msk $0xffff, v5  }
0xbc: {  	v6 =	vld.idx.msk [tilespmem:v7+s10+$0x0], $0xffff;
	_ =	sdelay $0x4  }
0xbd: {  	v6 =	vmul.u32 $0x50, v6;
	_ =	sdelay $0x1  }
0xbe: {  	v7 =	vld [tilespmem:s17+$0x200];
	v57 =	vor.u32 v0, v6;
	_ =	sdelay $0x4  }
0xbf: {  	[tilespmem:v57+s8+$0x0] =	vst.idx.add.f32.msk $0xffff, v7  }
0xc0: {  	v7 =	vadd.s32 v1, v6;
	v8 =	vld [tilespmem:s17+$0x210];
	_ =	sdelay $0x4  }
0xc1: {  	[tilespmem:v7+s8+$0x0] =	vst.idx.add.f32.msk $0xffff, v8  }
0xc2: {  	v7 =	vadd.s32 v2, v6;
	v8 =	vld [tilespmem:s17+$0x220];
	_ =	sdelay $0x3  }
0xc3: {  	s30 =	sadd.s32 $0xD, s18  }
0xc4: {  	[tilespmem:v7+s8+$0x0] =	vst.idx.add.f32.msk $0xffff, v8;
	v7 =	vmov s30  }
0xc5: {  	v58 =	vadd.s32 v3, v6;
	v9 =	vld [tilespmem:s17+$0x230];
	v7 =	vand.u32 $0xFFFFFFFD, v7  }
0xc6: {  	v6 =	vadd.s32 v4, v6;
	v7 =	vbroadcast v7, $0x0;
	_ =	sdelay $0x3  }
0xc7: {  	[tilespmem:v58+s8+$0x0] =	vst.idx.add.f32.msk $0xffff, v9  }
0xc8: {  	[tilespmem:v6+s8+$0x0] =	vst.idx.add.f32.msk $0xffff, v5  }
0xc9: {  	v6 =	vld.idx.msk [tilespmem:v7+s10+$0x0], $0xffff;
	_ =	sdelay $0x4  }
0xca: {  	v6 =	vmul.u32 $0x50, v6;
	_ =	sdelay $0x1  }
0xcb: {  	v7 =	vld [tilespmem:s17+$0x280];
	v59 =	vor.u32 v0, v6;
	_ =	sdelay $0x4  }
0xcc: {  	[tilespmem:v59+s8+$0x0] =	vst.idx.add.f32.msk $0xffff, v7  }
0xcd: {  	v7 =	vadd.s32 v1, v6;
	v8 =	vld [tilespmem:s17+$0x290];
	_ =	sdelay $0x4  }
0xce: {  	[tilespmem:v7+s8+$0x0] =	vst.idx.add.f32.msk $0xffff, v8  }
0xcf: {  	v7 =	vadd.s32 v2, v6;
	v8 =	vld [tilespmem:s17+$0x2A0];
	_ =	sdelay $0x3  }
0xd0: {  	s31 =	sadd.s32 $0xE, s18  }
0xd1: {  	[tilespmem:v7+s8+$0x0] =	vst.idx.add.f32.msk $0xffff, v8;
	v7 =	vmov s31  }
0xd2: {  	v60 =	vadd.s32 v3, v6;
	v9 =	vld [tilespmem:s17+$0x2B0];
	v7 =	vand.u32 $0xFFFFFFFE, v7  }
0xd3: {  	v6 =	vadd.s32 v4, v6;
	v7 =	vbroadcast v7, $0x0;
	_ =	sdelay $0x3  }
0xd4: {  	[tilespmem:v60+s8+$0x0] =	vst.idx.add.f32.msk $0xffff, v9  }
0xd5: {  	[tilespmem:v6+s8+$0x0] =	vst.idx.add.f32.msk $0xffff, v5  }
0xd6: {  	v6 =	vld.idx.msk [tilespmem:v7+s10+$0x0], $0xffff;
	_ =	sdelay $0x4  }
0xd7: {  	v6 =	vmul.u32 $0x50, v6;
	_ =	sdelay $0x1  }
0xd8: {  	v7 =	vld [tilespmem:s17+$0x300];
	v61 =	vor.u32 v0, v6;
	_ =	sdelay $0x4  }
0xd9: {  	[tilespmem:v61+s8+$0x0] =	vst.idx.add.f32.msk $0xffff, v7  }
0xda: {  	v7 =	vadd.s32 v1, v6;
	v8 =	vld [tilespmem:s17+$0x310];
	_ =	sdelay $0x4  }
0xdb: {  	[tilespmem:v7+s8+$0x0] =	vst.idx.add.f32.msk $0xffff, v8  }
0xdc: {  	v7 =	vadd.s32 v2, v6;
	v8 =	vld [tilespmem:s17+$0x320];
	_ =	sdelay $0x4  }
0xdd: {  	[tilespmem:v7+s8+$0x0] =	vst.idx.add.f32.msk $0xffff, v8  }
0xde: {  	v7 =	vadd.s32 v3, v6;
	v8 =	vld [tilespmem:s17+$0x330]  }
0xdf: {  	s18 =	sadd.s32 $0xF, s18;
	v6 =	vadd.s32 v4, v6  }
0xe0: {  	v62 =	vmov s18;
	_ =	sdelay $0x2  }
0xe1: {  	[tilespmem:v7+s8+$0x0] =	vst.idx.add.f32.msk $0xffff, v8  }
0xe2: {  	[tilespmem:v6+s8+$0x0] =	vst.idx.add.f32.msk $0xffff, v5  }
0xe3: {  	v6 =	vld.idx.msk [tilespmem:v62+s10+$0x0], $0xffff;
	_ =	sdelay $0x4  }
0xe4: {  	v6 =	vmul.u32 $0x50, v6;
	_ =	sdelay $0x1  }
0xe5: {  	v7 =	vld [tilespmem:s17+$0x380];
	v63 =	vor.u32 v0, v6;
	_ =	sdelay $0x4  }
0xe6: {  	[tilespmem:v63+s8+$0x0] =	vst.idx.add.f32.msk $0xffff, v7  }
0xe7: {  	v7 =	vadd.s32 v1, v6;
	v8 =	vld [tilespmem:s17+$0x390];
	_ =	sdelay $0x4  }
0xe8: {  	[tilespmem:v7+s8+$0x0] =	vst.idx.add.f32.msk $0xffff, v8  }
0xe9: {  	v7 =	vadd.s32 v2, v6;
	v8 =	vld [tilespmem:s17+$0x3A0];
	_ =	sdelay $0x4  }
0xea: {  	[tilespmem:v7+s8+$0x0] =	vst.idx.add.f32.msk $0xffff, v8  }
0xeb: {  	v7 =	vadd.s32 v3, v6;
	v8 =	vld [tilespmem:s17+$0x3B0]  }
0xec: {  	p0 =	sne.s32 s16, $0x70;
	v6 =	vadd.s32 v4, v6  }
.Ltmp0:
0xed: {  	_ = 	snop;
	(pc) =	sbr.rel @p0 .LBB2_3-.Ltmp0, $3  }
0xee: {  	_ =	sdelay $0x1  }
0xef: {  	[tilespmem:v7+s8+$0x0] =	vst.idx.add.f32.msk $0xffff, v8  }
0xf0: {  	s16 =	sadd.s32 $0x10, s16;
	s17 =	sadd.s32 $0x800, s17;
	[tilespmem:v6+s8+$0x0] =	vst.idx.add.f32.msk $0xffff, v5  }
0xf1: {  	s15 =	sadd.s32 $0x1, s15  }
0xf2: {  	p0 =	sne.s32 s15, $0x4  }
.Ltmp1:
0xf3: {  	_ = 	snop;
	(pc) =	sbr.rel @p0 .LBB2_2-.Ltmp1, $2  }
0xf4: {  	_ =	sdelay $0x2  }
0xf5: {  	s14 =	sadd.s32 $0x80, s14  }
0xf6: {  	s13 =	sadd.s32 $0x1, s13  }
0xf7: {  	p0 =	sne.s32 s13, s7  }
.Ltmp2:
0xf8: {  	_ = 	snop;
	(pc) =	sbr.rel @p0 .LBB2_1-.Ltmp2, $4  }
0xf9: {  	[hbm4b:s6+s11] =	stream.strided.scatter [tilespmem:s8], [sflag:$0x1], $0x14000, s12, s11, $0x38;
	[tilespmem:$0x18200] =	vst v63  }
0xfa: {  	_ =	swait.ge [sflag:s9], $0x14000  }
0xfb: {  	[sflag:s9] =	ssyncset.done $0x0  }
0xfc: {  	[sflag:s9] =	ssyncadd.s32 $0xFFFEC000  }
0xfd: {  	_ =	sfence.sel $0x180000  }
0xfe: {  	[bflag:$0x0] =	sbarrier.arrive $0xFFFF  }
0xff: {  	p0 =	sne.s32 s0, $0x0;
	_ =	strace $0x90000047  }
0x100: {  	s0 =	sadd.s32 @!p0 $0x100000, s1;
	[bflag:$0x2] =	sbarrier.arrive $0xFFFF  }
0x101: {  	[sflag:s0] =	ssyncadd.tile.s32 @!p0 $0x1;
	_ =	shalt  }
.Lfunc_end2:
_tile_overlayer_lowered:
.L_overlay_start_2:
0x102: {  	(tag) =	ssettag $0x2  }
0x103: {  	s0 =	rddreg [dreg:$0x0];
	s2 =	stileid.u32  }
0x104: {  	s1 =	rddreg [dreg:$0x1];
	p0 =	sne.s32 s2, $0x0  }
0x105: {  	s3 =	rddreg [dreg:$0x2];
	[bflag:$0x3] =	sbarrier.arrive $0xFFFF;
	s2 =	simm.s32 @!p0 $0x1C01  }
0x106: {  	[timem:s3], [sflag:s2] =	dma.local @!p0 [hbm:s0], s1  }
0x107: {  	s0 =	simm.s32 @!p0 $0x1  }
0x108: {  	_ =	swait.ge @!p0 [sflag:s0], s1  }
0x109: {  	s1 =	ssub.s32 @!p0 $0x0, s1;
	[sflag:s0] =	ssyncset.done @!p0 $0x0  }
0x10a: {  	[sflag:s0] =	ssyncadd.s32 @!p0 s1  }
0x10b: {  	[bflag:$0x3] =	sbarrier.arrive $0xFFFF  }
0x10c: {  	_ =	shalt  }

</sc_bundles>
